<compile_context>
chip_gen: v7x
topology: tpu7x:2x2x1
jax: 0.10.2.dev20260603
libtpu: 0.0.44.dev20260713+nightly
codegen_flags: <defaults>
</compile_context>

<pallas_src>
import functools
import math

import jax
import jax.numpy as jnp
from jax import lax
from jax.experimental import pallas as pl
from jax.experimental.pallas import tpu as pltpu
from jax.experimental.pallas import tpu_sc as plsc

B, H, N, D = 4, 8, 1024, 256
NHID = 256
BH = B * H
K = (N * N) // int(math.sqrt(N))

_SQRT_HALF = 0.7071067811865476

_NC, _NS = 2, 16
_CROWS = 32
_NCHUNK = N // _CROWS
_NBINS = 32768


def _select_from_top(hist, kleft, base=0, nbins=_NBINS):
    iota = lax.iota(jnp.int32, 16)
    big = jnp.float32(3e9)

    def cond(st):
        g, acc, q, cnt, found = st
        return jnp.logical_and(jnp.logical_not(found), g >= 0)

    def body(st):
        g, acc, q, cnt, found = st
        vec = hist[pl.ds(base + g * 16, 16)]
        rv = lax.rev(vec, (0,))
        cs = plsc.cumsum(rv)
        tot = acc + cs
        mask = tot >= kleft
        nset = jnp.sum(jnp.where(mask, 1, 0))
        has = nset > 0
        lstar = 16 - nset
        csl = jnp.min(jnp.where(mask, cs, big))
        rvl = jnp.sum(jnp.where(iota == lstar, rv, 0.0))
        q_new = g * 16 + 15 - lstar
        cnt_new = acc + csl - rvl
        acc_new = acc + jnp.sum(vec)
        return (
            g - 1,
            jnp.where(has, acc, acc_new),
            jnp.where(has, q_new, q),
            jnp.where(has, cnt_new, cnt),
            has,
        )

    st = (
        jnp.int32(nbins // 16 - 1),
        jnp.float32(0.0),
        jnp.int32(0),
        jnp.float32(0.0),
        jnp.bool_(False),
    )
    g, acc, q, cnt, found = lax.while_loop(cond, body, st)
    return q, cnt


def _zero_hist(hist):
    zf = jnp.zeros((16,), jnp.float32)

    @plsc.parallel_loop(0, _NBINS, step=16, unroll=8)
    def _(i):
        hist[pl.ds(i, 16)] = zf


def _stream_pass(adj_hbm, wid, bufs, sems, hist, binfn):
    nbuf = len(bufs)
    onesf = jnp.ones((16,), jnp.float32)
    for b in range(nbuf):
        pltpu.async_copy(
            adj_hbm.at[wid, pl.ds(b * _CROWS, _CROWS)], bufs[b], sems[b]
        )

    def outer(g, carry):
        for bsl in range(nbuf):
            c = g * nbuf + bsl
            buf, sem = bufs[bsl], sems[bsl]
            pltpu.make_async_copy(
                adj_hbm.at[wid, pl.ds(c * _CROWS, _CROWS)], buf, sem
            ).wait()

            @plsc.parallel_loop(0, _CROWS * N, step=32, unroll=8)
            def _(i):
                row = lax.shift_right_logical(i, 10)
                col = jnp.bitwise_and(i, N - 1)
                for h in range(2):
                    v = buf[row, pl.ds(col + 16 * h, 16)]
                    pat = lax.bitcast_convert_type(v, jnp.int32)
                    b2, m = binfn(pat)
                    plsc.addupdate_scatter(hist, [b2], onesf, mask=m)

            @pl.when(g < _NCHUNK // nbuf - 1)
            def _():
                pltpu.async_copy(
                    adj_hbm.at[wid, pl.ds((c + nbuf) * _CROWS, _CROWS)],
                    buf, sem,
                )
        return carry

    lax.fori_loop(0, _NCHUNK // len(bufs), outer, 0)


def _thresh_body(adj_hbm, thr_hbm, buf0, buf1, hist, tbuf, sem0, sem1):
    wid = lax.axis_index("s") * _NC + lax.axis_index("c")
    bufs, sems = (buf0, buf1), (sem0, sem1)

    _zero_hist(hist)
    _stream_pass(
        adj_hbm, wid, bufs, sems, hist,
        lambda pat: (lax.shift_right_logical(pat, 15), None),
    )
    q1, cnt1 = _select_from_top(hist, jnp.float32(K))

    _zero_hist(hist)
    _stream_pass(
        adj_hbm, wid, bufs, sems, hist,
        lambda pat: (
            jnp.bitwise_and(pat, 0x7FFF),
            lax.shift_right_logical(pat, 15) == q1,
        ),
    )
    q2, _ = _select_from_top(hist, jnp.float32(K) - cnt1)

    t_pat = jnp.left_shift(q1, 15) | q2
    tbuf[...] = jnp.zeros((16,), jnp.int32) + t_pat
    pltpu.sync_copy(tbuf, thr_hbm.at[wid])


_sc_thresholds = functools.partial(
    pl.kernel,
    mesh=plsc.VectorSubcoreMesh(core_axis_name="c", subcore_axis_name="s"),
    out_type=jax.ShapeDtypeStruct((BH, 16), jnp.int32),
    scratch_types=[
        pltpu.VMEM((_CROWS, N), jnp.float32),
        pltpu.VMEM((_CROWS, N), jnp.float32),
        pltpu.VMEM((_NBINS,), jnp.float32),
        pltpu.VMEM((16,), jnp.int32),
        pltpu.SemaphoreType.DMA,
        pltpu.SemaphoreType.DMA,
    ],
    compiler_params=pltpu.CompilerParams(needs_layout_passes=False),
)(_thresh_body)


def _gin_kernel(thr_ref, adj_ref, x_ref, w_ref, b_ref, eps_ref, out_ref, adjn_ref):
    i = pl.program_id(0)
    a = adj_ref[0]
    thresh = thr_ref[i, 0]

    m = jnp.where(a >= thresh, a, 0.0)
    mt = m.T
    sym = (m + mt) * 0.5
    deg = jnp.sum(sym, axis=1)
    pos = deg > 0.0
    dinv = jnp.where(pos, lax.rsqrt(jnp.where(pos, deg, 1.0)), 0.0)
    normed = sym * dinv[:, None] * dinv[None, :]
    adjn_ref[0] = normed

    x = x_ref[0]
    agg = lax.dot(normed, x)
    eps = eps_ref[0, 0]
    h = (1.0 + eps) * x + agg
    z = lax.dot(h, w_ref[...])
    z = z + b_ref[0]
    out_ref[0] = 0.5 * z * (1.0 + lax.erf(z * _SQRT_HALF))


def kernel(x, adj, W, b, eps):
    xf = x.reshape(BH, N, D)
    adjf = adj.reshape(BH, N, N)
    eps2d = jnp.reshape(eps, (1, 1)).astype(jnp.float32)
    b2d = jnp.reshape(b, (1, NHID))

    thr_pat = _sc_thresholds(adjf)
    thr = lax.bitcast_convert_type(thr_pat, jnp.float32)

    out, adjn = pl.pallas_call(
        _gin_kernel,
        grid=(BH,),
        in_specs=[
            pl.BlockSpec(memory_space=pltpu.SMEM),
            pl.BlockSpec((1, N, N), lambda i: (i, 0, 0)),
            pl.BlockSpec((1, N, D), lambda i: (i, 0, 0)),
            pl.BlockSpec((D, NHID), lambda i: (0, 0)),
            pl.BlockSpec((1, NHID), lambda i: (0, 0)),
            pl.BlockSpec(memory_space=pltpu.SMEM),
        ],
        out_specs=[
            pl.BlockSpec((1, N, NHID), lambda i: (i, 0, 0)),
            pl.BlockSpec((1, N, N), lambda i: (i, 0, 0)),
        ],
        out_shape=[
            jax.ShapeDtypeStruct((BH, N, NHID), jnp.float32),
            jax.ShapeDtypeStruct((BH, N, N), jnp.float32),
        ],
    )(thr, adjf, xf, W, b2d, eps2d)

    return out.reshape(B, H, N, NHID), adjn

# --- scband reference (transcript-rebuilt; emitter-appended) ---
"""Pipeline reference for scband-gin-38130719654022 (READ-ONLY COPY).

The authoritative reference and input builder live on the scoring server;
editing this copy changes nothing except your own understanding.
"""

import jax, jax.numpy as jnp
import numpy as np
import math

B, H, N, D = 4, 8, 1024, 256
NHID = 256

def setup_inputs(seed: int = 0) -> dict:
    key = jax.random.key(seed)
    k1, k2, k3 = jax.random.split(key, 3)
    x = jax.random.normal(k1, (B, H, N, D), dtype=jnp.float32)
    adj = jax.random.uniform(k2, (B, H, N, N), dtype=jnp.float32)
    W = jax.random.normal(k3, (D, NHID), dtype=jnp.float32) * (1.0 / math.sqrt(D))
    b = jnp.zeros((NHID,), dtype=jnp.float32)
    eps = jnp.zeros((), dtype=jnp.float32)
    return {"x": x, "adj": adj, "W": W, "b": b, "eps": eps}

def _sparse_adj(adj):
    b, h, n, m = adj.shape
    a = adj.reshape(b * h, n * m)
    k = (n * m) // int(math.sqrt(n))
    _, idx = jax.lax.top_k(a, k)
    vals = jnp.take_along_axis(a, idx, axis=1)
    copy = jnp.zeros_like(a)
    copy = jax.vmap(lambda c, i, v: c.at[i].set(v))(copy, idx, vals)
    return copy.reshape(b * h, n, m), h

def _norm(adj, head_num):
    adj = (adj + jnp.swapaxes(adj, 1, 2)) / 2.0
    deg = jnp.sum(adj, axis=-1)
    deg_safe = jnp.where(deg > 0, deg, 1.0)
    dinv = jnp.where(deg > 0, deg_safe ** (-0.5), 0.0)
    norm_adj = dinv[:, :, None] * adj * dinv[:, None, :]
    bh, n, _ = norm_adj.shape
    return norm_adj.reshape(bh // head_num, head_num, n, n)

def reference(x, adj, W, b, eps):
    adj_s, h = _sparse_adj(adj)
    adj_n = _norm(adj_s, h)
    adj_copy = adj_n.reshape(-1, adj_n.shape[-2], adj_n.shape[-1])
    bsz, c, n, d = x.shape
    xf = x.reshape(bsz * c, n, d)
    # GIN-style conv: message passing with normalized sparse adjacency
    # (dense matmul form is mathematically identical to edge_index/edge_values scatter-add)
    agg = jnp.einsum('bij,bjd->bid', adj_copy, xf)
    out = ((1.0 + eps) * xf + agg) @ W + b
    out = jax.nn.gelu(out, approximate=False)
    out = out.reshape(bsz, c, n, -1)
    # dropout is identity in eval mode
    return out, adj_copy

if __name__ == "__main__":
    import jax
    _d = setup_inputs()
    print(jax.jit(kernel)(*tuple(_d.values())))

</pallas_src>

<mosaic_0001>
#map = affine_map<(d0, d1) -> (0, 0, 0)>
#map1 = affine_map<(d0, d1) -> (0, 0)>
module attributes {stable_mosaic.version = 14 : i64} {
  func.func @_thresh_body(%arg0: i32, %arg1: i32, %arg2: memref<32x1024x1024xf32, #tpu.memory_space<hbm>>, %arg3: memref<32x16xi32, #tpu.memory_space<hbm>>, %arg4: memref<32x1024xf32, #tpu.memory_space<vmem>>, %arg5: memref<32x1024xf32, #tpu.memory_space<vmem>>, %arg6: memref<32768xf32, #tpu.memory_space<vmem>>, %arg7: memref<16xi32, #tpu.memory_space<vmem>>, %arg8: memref<!tpu.dma_semaphore, #tpu.memory_space<semaphore_mem>>, %arg9: memref<!tpu.dma_semaphore, #tpu.memory_space<semaphore_mem>>) attributes {dimension_semantics = [#tpu.dimension_semantics<core_parallel>, #tpu.dimension_semantics<subcore_parallel>], iteration_bounds = array<i64: 2, 16>, scalar_prefetch = 0 : i64, scratch_operands = 6 : i64, tpu.core_type = #tpu.core_type<sc_vector_subcore>, window_params = [{transform_indices = #map}, {transform_indices = #map1}]} {
    %mul3A = arith.constant 2 : i32
    %mul3A_0 = arith.muli %arg1, %mul3A : i32
    %add3A = arith.addi %mul3A_0, %arg0 : i32
    %broadcast_in_dim3A = arith.constant 0.000000e+00 : f32
    %broadcast_in_dim3A_1 = vector.broadcast %broadcast_in_dim3A : f32 to vector<16xf32>
    %parallel_loop3A = arith.constant 0 : i32
    %parallel_loop3A_2 = arith.constant 32768 : i32
    %parallel_loop3A_3 = arith.constant 16 : i32
    scf.for %parallel_loop3A_77 = %parallel_loop3A to %parallel_loop3A_2 step %parallel_loop3A_3  : i32 {
      %parallel_loop3A_78 = arith.index_cast %parallel_loop3A_77 : i32 to index
      %parallel_loop3A_79 = tpu.vector_load %arg6[%parallel_loop3A_78] {strides = array<i32>} : memref<32768xf32, #tpu.memory_space<vmem>>, vector<16xf32>,
      tpu.vector_store %arg6[%parallel_loop3A_78], %broadcast_in_dim3A_1 {strides = array<i32>} : memref<32768xf32, #tpu.memory_space<vmem>>, vector<16xf32>,
    } {sc.loop_unroll_factor = 8 : i64, sc.parallel_access}
    %broadcast_in_dim3A_4 = arith.constant 1.000000e+00 : f32
    %broadcast_in_dim3A_5 = vector.broadcast %broadcast_in_dim3A_4 : f32 to vector<16xf32>
    %dma_start3A = arith.constant 0 : i32
    %dma_start3A_6 = arith.constant 0 : i32
    %dma_start3A_7 = tpu.memref_slice %arg2[%add3A, %dma_start3A, %dma_start3A_6] : memref<32x1024x1024xf32, #tpu.memory_space<hbm>> -> memref<1x32x1024xf32, #tpu.memory_space<hbm>>
    %dma_start3A_8 = tpu.memref_squeeze %dma_start3A_7 : memref<1x32x1024xf32, #tpu.memory_space<hbm>> -> memref<32x1024xf32, #tpu.memory_space<hbm>>
    %dma_start3A_9 = arith.constant 0 : i32
    %dma_start3A_10 = arith.constant 0 : i32
    %dma_start3A_11 = tpu.memref_slice %arg2[%add3A, %dma_start3A_9, %dma_start3A_10] : memref<32x1024x1024xf32, #tpu.memory_space<hbm>> -> memref<1x32x1024xf32, #tpu.memory_space<hbm>>
    %dma_start3A_12 = tpu.memref_squeeze %dma_start3A_11 : memref<1x32x1024xf32, #tpu.memory_space<hbm>> -> memref<32x1024xf32, #tpu.memory_space<hbm>>
    tpu.enqueue_dma source(%dma_start3A_12 : memref<32x1024xf32, #tpu.memory_space<hbm>>) target(%arg4 : memref<32x1024xf32, #tpu.memory_space<vmem>>) target_semaphore(%arg8 : memref<!tpu.dma_semaphore, #tpu.memory_space<semaphore_mem>>)
    %dma_start3A_13 = arith.constant 32 : i32
    %dma_start3A_14 = arith.constant 0 : i32
    %dma_start3A_15 = tpu.memref_slice %arg2[%add3A, %dma_start3A_13, %dma_start3A_14] : memref<32x1024x1024xf32, #tpu.memory_space<hbm>> -> memref<1x32x1024xf32, #tpu.memory_space<hbm>>
    %dma_start3A_16 = tpu.memref_squeeze %dma_start3A_15 : memref<1x32x1024xf32, #tpu.memory_space<hbm>> -> memref<32x1024xf32, #tpu.memory_space<hbm>>
    %dma_start3A_17 = arith.constant 32 : i32
    %dma_start3A_18 = arith.constant 0 : i32
    %dma_start3A_19 = tpu.memref_slice %arg2[%add3A, %dma_start3A_17, %dma_start3A_18] : memref<32x1024x1024xf32, #tpu.memory_space<hbm>> -> memref<1x32x1024xf32, #tpu.memory_space<hbm>>
    %dma_start3A_20 = tpu.memref_squeeze %dma_start3A_19 : memref<1x32x1024xf32, #tpu.memory_space<hbm>> -> memref<32x1024xf32, #tpu.memory_space<hbm>>
    tpu.enqueue_dma source(%dma_start3A_20 : memref<32x1024xf32, #tpu.memory_space<hbm>>) target(%arg5 : memref<32x1024xf32, #tpu.memory_space<vmem>>) target_semaphore(%arg9 : memref<!tpu.dma_semaphore, #tpu.memory_space<semaphore_mem>>)
    %scan3A = arith.constant 0 : i32
    %scan3A_21 = arith.constant 0 : i32
    %scan3A_22 = arith.constant 16 : i32
    %scan3A_23 = arith.addi %scan3A_21, %scan3A_22 : i32
    %scan3A_24 = arith.constant 1 : i32
    scf.for %scan3A_77 = %scan3A_21 to %scan3A_23 step %scan3A_24  : i32 {
      %mul3A_78 = arith.constant 2 : i32
      %mul3A_79 = arith.muli %scan3A_77, %mul3A_78 : i32
      %add3A_80 = arith.constant 0 : i32
      %add3A_81 = arith.addi %mul3A_79, %add3A_80 : i32
      %mul3A_82 = arith.constant 32 : i32
      %mul3A_83 = arith.muli %add3A_81, %mul3A_82 : i32
      %dma_wait3A = arith.constant 0 : i32
      %dma_wait3A_84 = tpu.memref_slice %arg2[%add3A, %mul3A_83, %dma_wait3A] : memref<32x1024x1024xf32, #tpu.memory_space<hbm>> -> memref<1x32x1024xf32, #tpu.memory_space<hbm>>
      %dma_wait3A_85 = tpu.memref_squeeze %dma_wait3A_84 : memref<1x32x1024xf32, #tpu.memory_space<hbm>> -> memref<32x1024xf32, #tpu.memory_space<hbm>>
      %dma_wait3A_86 = arith.constant 0 : i32
      %dma_wait3A_87 = tpu.memref_slice %arg2[%add3A, %mul3A_83, %dma_wait3A_86] : memref<32x1024x1024xf32, #tpu.memory_space<hbm>> -> memref<1x32x1024xf32, #tpu.memory_space<hbm>>
      %dma_wait3A_88 = tpu.memref_squeeze %dma_wait3A_87 : memref<1x32x1024xf32, #tpu.memory_space<hbm>> -> memref<32x1024xf32, #tpu.memory_space<hbm>>
      tpu.wait_dma2 semaphore(%arg8 : memref<!tpu.dma_semaphore, #tpu.memory_space<semaphore_mem>>) src(%dma_wait3A_88 : memref<32x1024xf32, #tpu.memory_space<hbm>>) dst(%arg4 : memref<32x1024xf32, #tpu.memory_space<vmem>>)
      %parallel_loop3A_89 = arith.constant 0 : i32
      %parallel_loop3A_90 = arith.constant 32768 : i32
      %parallel_loop3A_91 = arith.constant 32 : i32
      scf.for %parallel_loop3A_114 = %parallel_loop3A_89 to %parallel_loop3A_90 step %parallel_loop3A_91  : i32 {
        %parallel_loop3A_115 = arith.constant 10 : i32
        %parallel_loop3A_116 = arith.shrui %parallel_loop3A_114, %parallel_loop3A_115 : i32
        %parallel_loop3A_117 = arith.constant 1023 : i32
        %parallel_loop3A_118 = arith.andi %parallel_loop3A_114, %parallel_loop3A_117 : i32
        %parallel_loop3A_119 = arith.constant 0 : i32
        %parallel_loop3A_120 = arith.addi %parallel_loop3A_118, %parallel_loop3A_119 : i32
        %parallel_loop3A_121 = arith.index_cast %parallel_loop3A_116 : i32 to index
        %parallel_loop3A_122 = arith.index_cast %parallel_loop3A_120 : i32 to index
        %parallel_loop3A_123 = tpu.vector_load %arg4[%parallel_loop3A_121, %parallel_loop3A_122] {strides = array<i32>} : memref<32x1024xf32, #tpu.memory_space<vmem>>, vector<16xf32>,
        %parallel_loop3A_124 = tpu.bitcast %parallel_loop3A_123 : vector<16xf32> -> vector<16xi32>
        %parallel_loop3A_125 = arith.constant 15 : i32
        %parallel_loop3A_126 = vector.broadcast %parallel_loop3A_125 : i32 to vector<16xi32>
        %parallel_loop3A_127 = arith.shrui %parallel_loop3A_124, %parallel_loop3A_126 : vector<16xi32>
        tpu.vector_store_idx %arg6[%parallel_loop3A_127], %broadcast_in_dim3A_5 {add = true} : memref<32768xf32, #tpu.memory_space<vmem>>[vector<16xi32>], vector<16xf32>,
        %parallel_loop3A_128 = arith.constant 16 : i32
        %parallel_loop3A_129 = arith.addi %parallel_loop3A_118, %parallel_loop3A_128 : i32
        %parallel_loop3A_130 = arith.index_cast %parallel_loop3A_116 : i32 to index
        %parallel_loop3A_131 = arith.index_cast %parallel_loop3A_129 : i32 to index
        %parallel_loop3A_132 = tpu.vector_load %arg4[%parallel_loop3A_130, %parallel_loop3A_131] {strides = array<i32>} : memref<32x1024xf32, #tpu.memory_space<vmem>>, vector<16xf32>,
        %parallel_loop3A_133 = tpu.bitcast %parallel_loop3A_132 : vector<16xf32> -> vector<16xi32>
        %parallel_loop3A_134 = arith.constant 15 : i32
        %parallel_loop3A_135 = vector.broadcast %parallel_loop3A_134 : i32 to vector<16xi32>
        %parallel_loop3A_136 = arith.shrui %parallel_loop3A_133, %parallel_loop3A_135 : vector<16xi32>
        tpu.vector_store_idx %arg6[%parallel_loop3A_136], %broadcast_in_dim3A_5 {add = true} : memref<32768xf32, #tpu.memory_space<vmem>>[vector<16xi32>], vector<16xf32>,
      } {sc.loop_unroll_factor = 8 : i64, sc.parallel_access}
      %lt3A = arith.constant 15 : i32
      %lt3A_92 = arith.cmpi slt, %scan3A_77, %lt3A : i32
      %convert_element_type3A = arith.extui %lt3A_92 : i1 to i32
      %cond3A = arith.constant 0 : i32
      %cond3A_93 = arith.cmpi ne, %convert_element_type3A, %cond3A : i32
      scf.if %cond3A_93 {
        %add3A_114 = arith.constant 2 : i32
        %add3A_115 = arith.addi %add3A_81, %add3A_114 : i32
        %mul3A_116 = arith.constant 32 : i32
        %mul3A_117 = arith.muli %add3A_115, %mul3A_116 : i32
        %dma_start3A_118 = arith.constant 0 : i32
        %dma_start3A_119 = tpu.memref_slice %arg2[%add3A, %mul3A_117, %dma_start3A_118] : memref<32x1024x1024xf32, #tpu.memory_space<hbm>> -> memref<1x32x1024xf32, #tpu.memory_space<hbm>>
        %dma_start3A_120 = tpu.memref_squeeze %dma_start3A_119 : memref<1x32x1024xf32, #tpu.memory_space<hbm>> -> memref<32x1024xf32, #tpu.memory_space<hbm>>
        %dma_start3A_121 = arith.constant 0 : i32
        %dma_start3A_122 = tpu.memref_slice %arg2[%add3A, %mul3A_117, %dma_start3A_121] : memref<32x1024x1024xf32, #tpu.memory_space<hbm>> -> memref<1x32x1024xf32, #tpu.memory_space<hbm>>
        %dma_start3A_123 = tpu.memref_squeeze %dma_start3A_122 : memref<1x32x1024xf32, #tpu.memory_space<hbm>> -> memref<32x1024xf32, #tpu.memory_space<hbm>>
        tpu.enqueue_dma source(%dma_start3A_123 : memref<32x1024xf32, #tpu.memory_space<hbm>>) target(%arg4 : memref<32x1024xf32, #tpu.memory_space<vmem>>) target_semaphore(%arg8 : memref<!tpu.dma_semaphore, #tpu.memory_space<semaphore_mem>>)
      } else {
      }
      %mul3A_94 = arith.constant 2 : i32
      %mul3A_95 = arith.muli %scan3A_77, %mul3A_94 : i32
      %add3A_96 = arith.constant 1 : i32
      %add3A_97 = arith.addi %mul3A_95, %add3A_96 : i32
      %mul3A_98 = arith.constant 32 : i32
      %mul3A_99 = arith.muli %add3A_97, %mul3A_98 : i32
      %dma_wait3A_100 = arith.constant 0 : i32
      %dma_wait3A_101 = tpu.memref_slice %arg2[%add3A, %mul3A_99, %dma_wait3A_100] : memref<32x1024x1024xf32, #tpu.memory_space<hbm>> -> memref<1x32x1024xf32, #tpu.memory_space<hbm>>
      %dma_wait3A_102 = tpu.memref_squeeze %dma_wait3A_101 : memref<1x32x1024xf32, #tpu.memory_space<hbm>> -> memref<32x1024xf32, #tpu.memory_space<hbm>>
      %dma_wait3A_103 = arith.constant 0 : i32
      %dma_wait3A_104 = tpu.memref_slice %arg2[%add3A, %mul3A_99, %dma_wait3A_103] : memref<32x1024x1024xf32, #tpu.memory_space<hbm>> -> memref<1x32x1024xf32, #tpu.memory_space<hbm>>
      %dma_wait3A_105 = tpu.memref_squeeze %dma_wait3A_104 : memref<1x32x1024xf32, #tpu.memory_space<hbm>> -> memref<32x1024xf32, #tpu.memory_space<hbm>>
      tpu.wait_dma2 semaphore(%arg9 : memref<!tpu.dma_semaphore, #tpu.memory_space<semaphore_mem>>) src(%dma_wait3A_105 : memref<32x1024xf32, #tpu.memory_space<hbm>>) dst(%arg5 : memref<32x1024xf32, #tpu.memory_space<vmem>>)
      %parallel_loop3A_106 = arith.constant 0 : i32
      %parallel_loop3A_107 = arith.constant 32768 : i32
      %parallel_loop3A_108 = arith.constant 32 : i32
      scf.for %parallel_loop3A_114 = %parallel_loop3A_106 to %parallel_loop3A_107 step %parallel_loop3A_108  : i32 {
        %parallel_loop3A_115 = arith.constant 10 : i32
        %parallel_loop3A_116 = arith.shrui %parallel_loop3A_114, %parallel_loop3A_115 : i32
        %parallel_loop3A_117 = arith.constant 1023 : i32
        %parallel_loop3A_118 = arith.andi %parallel_loop3A_114, %parallel_loop3A_117 : i32
        %parallel_loop3A_119 = arith.constant 0 : i32
        %parallel_loop3A_120 = arith.addi %parallel_loop3A_118, %parallel_loop3A_119 : i32
        %parallel_loop3A_121 = arith.index_cast %parallel_loop3A_116 : i32 to index
        %parallel_loop3A_122 = arith.index_cast %parallel_loop3A_120 : i32 to index
        %parallel_loop3A_123 = tpu.vector_load %arg5[%parallel_loop3A_121, %parallel_loop3A_122] {strides = array<i32>} : memref<32x1024xf32, #tpu.memory_space<vmem>>, vector<16xf32>,
        %parallel_loop3A_124 = tpu.bitcast %parallel_loop3A_123 : vector<16xf32> -> vector<16xi32>
        %parallel_loop3A_125 = arith.constant 15 : i32
        %parallel_loop3A_126 = vector.broadcast %parallel_loop3A_125 : i32 to vector<16xi32>
        %parallel_loop3A_127 = arith.shrui %parallel_loop3A_124, %parallel_loop3A_126 : vector<16xi32>
        tpu.vector_store_idx %arg6[%parallel_loop3A_127], %broadcast_in_dim3A_5 {add = true} : memref<32768xf32, #tpu.memory_space<vmem>>[vector<16xi32>], vector<16xf32>,
        %parallel_loop3A_128 = arith.constant 16 : i32
        %parallel_loop3A_129 = arith.addi %parallel_loop3A_118, %parallel_loop3A_128 : i32
        %parallel_loop3A_130 = arith.index_cast %parallel_loop3A_116 : i32 to index
        %parallel_loop3A_131 = arith.index_cast %parallel_loop3A_129 : i32 to index
        %parallel_loop3A_132 = tpu.vector_load %arg5[%parallel_loop3A_130, %parallel_loop3A_131] {strides = array<i32>} : memref<32x1024xf32, #tpu.memory_space<vmem>>, vector<16xf32>,
        %parallel_loop3A_133 = tpu.bitcast %parallel_loop3A_132 : vector<16xf32> -> vector<16xi32>
        %parallel_loop3A_134 = arith.constant 15 : i32
        %parallel_loop3A_135 = vector.broadcast %parallel_loop3A_134 : i32 to vector<16xi32>
        %parallel_loop3A_136 = arith.shrui %parallel_loop3A_133, %parallel_loop3A_135 : vector<16xi32>
        tpu.vector_store_idx %arg6[%parallel_loop3A_136], %broadcast_in_dim3A_5 {add = true} : memref<32768xf32, #tpu.memory_space<vmem>>[vector<16xi32>], vector<16xf32>,
      } {sc.loop_unroll_factor = 8 : i64, sc.parallel_access}
      %lt3A_109 = arith.constant 15 : i32
      %lt3A_110 = arith.cmpi slt, %scan3A_77, %lt3A_109 : i32
      %convert_element_type3A_111 = arith.extui %lt3A_110 : i1 to i32
      %cond3A_112 = arith.constant 0 : i32
      %cond3A_113 = arith.cmpi ne, %convert_element_type3A_111, %cond3A_112 : i32
      scf.if %cond3A_113 {
        %add3A_114 = arith.constant 2 : i32
        %add3A_115 = arith.addi %add3A_97, %add3A_114 : i32
        %mul3A_116 = arith.constant 32 : i32
        %mul3A_117 = arith.muli %add3A_115, %mul3A_116 : i32
        %dma_start3A_118 = arith.constant 0 : i32
        %dma_start3A_119 = tpu.memref_slice %arg2[%add3A, %mul3A_117, %dma_start3A_118] : memref<32x1024x1024xf32, #tpu.memory_space<hbm>> -> memref<1x32x1024xf32, #tpu.memory_space<hbm>>
        %dma_start3A_120 = tpu.memref_squeeze %dma_start3A_119 : memref<1x32x1024xf32, #tpu.memory_space<hbm>> -> memref<32x1024xf32, #tpu.memory_space<hbm>>
        %dma_start3A_121 = arith.constant 0 : i32
        %dma_start3A_122 = tpu.memref_slice %arg2[%add3A, %mul3A_117, %dma_start3A_121] : memref<32x1024x1024xf32, #tpu.memory_space<hbm>> -> memref<1x32x1024xf32, #tpu.memory_space<hbm>>
        %dma_start3A_123 = tpu.memref_squeeze %dma_start3A_122 : memref<1x32x1024xf32, #tpu.memory_space<hbm>> -> memref<32x1024xf32, #tpu.memory_space<hbm>>
        tpu.enqueue_dma source(%dma_start3A_123 : memref<32x1024xf32, #tpu.memory_space<hbm>>) target(%arg5 : memref<32x1024xf32, #tpu.memory_space<vmem>>) target_semaphore(%arg9 : memref<!tpu.dma_semaphore, #tpu.memory_space<semaphore_mem>>)
      } else {
      }
    }
    %scan3A_25 = arith.constant 16 : i32
    %iota3A = tpu.iota {dimensions = array<i32: 0>} : vector<16xi32>
    %while3A = arith.constant 3.276800e+04 : f32
    %while3A_26 = arith.constant 3.000000e+09 : f32
    %while3A_27 = arith.constant 2047 : i32
    %while3A_28 = arith.constant 0.000000e+00 : f32
    %while3A_29 = arith.constant 0 : i32
    %while3A_30 = arith.constant 0.000000e+00 : f32
    %while3A_31 = arith.constant false
    %while3A_32:5 = scf.while (%while3A_77 = %while3A_27, %while3A_78 = %while3A_28, %while3A_79 = %while3A_29, %while3A_80 = %while3A_30, %while3A_81 = %while3A_31) : (i32, f32, i32, f32, i1) -> (i32, f32, i32, f32, i1) {
      %not3A = arith.constant true
      %not3A_82 = arith.xori %while3A_81, %not3A : i1
      %ge3A = arith.constant 0 : i32
      %ge3A_83 = arith.cmpi sge, %while3A_77, %ge3A : i32
      %and3A = arith.andi %not3A_82, %ge3A_83 : i1
      scf.condition(%and3A) %while3A_77, %while3A_78, %while3A_79, %while3A_80, %while3A_81 : i32, f32, i32, f32, i1
    } do {
    ^bb0(%while3A_77: i32, %while3A_78: f32, %while3A_79: i32, %while3A_80: f32, %while3A_81: i1):
      %mul3A_82 = arith.constant 16 : i32
      %mul3A_83 = arith.muli %while3A_77, %mul3A_82 : i32
      %add3A_84 = arith.constant 0 : i32
      %add3A_85 = arith.addi %add3A_84, %mul3A_83 : i32
      %get3A = arith.index_cast %add3A_85 : i32 to index
      %get3A_86 = tpu.vector_load %arg6[%get3A] {strides = array<i32>} : memref<32768xf32, #tpu.memory_space<vmem>>, vector<16xf32>,
      %rev3A = arith.constant 15 : i32
      %rev3A_87 = vector.broadcast %rev3A : i32 to vector<16xi32>
      %rev3A_88 = tpu.iota {dimensions = array<i32: 0>} : vector<16xi32>
      %rev3A_89 = arith.subi %rev3A_87, %rev3A_88 : vector<16xi32>
      %rev3A_90 = tpu.dynamic_gather %get3A_86[%rev3A_89] in [0] : vector<16xf32>, vector<16xi32> -> vector<16xf32>
      %broadcast_in_dim3A_91 = arith.constant true
      %broadcast_in_dim3A_92 = vector.broadcast %broadcast_in_dim3A_91 : i1 to vector<16xi1>
      %masked_cumsum3A = tpu.scan <sum>, %rev3A_90 masked %broadcast_in_dim3A_92 : vector<16xf32>, vector<16xi1> -> vector<16xf32>
      %add3A_93 = vector.broadcast %while3A_78 : f32 to vector<16xf32>
      %add3A_94 = arith.addf %add3A_93, %masked_cumsum3A : vector<16xf32>
      %ge3A = vector.broadcast %while3A : f32 to vector<16xf32>
      %ge3A_95 = arith.cmpf oge, %add3A_94, %ge3A : vector<16xf32>
      %jit3A = arith.constant 1 : i32
      %jit3A_96 = arith.constant 0 : i32
      %broadcast_in_dim3A_97 = vector.broadcast %jit3A : i32 to vector<16xi32>
      %broadcast_in_dim3A_98 = vector.broadcast %jit3A_96 : i32 to vector<16xi32>
      %select_n3A = arith.select %ge3A_95, %broadcast_in_dim3A_97, %broadcast_in_dim3A_98 : vector<16xi1>, vector<16xi32>
      %reduce_sum3A = arith.constant true
      %reduce_sum3A_99 = vector.broadcast %reduce_sum3A : i1 to vector<16xi1>
      %reduce_sum3A_100 = tpu.scan <sum>, %select_n3A masked %reduce_sum3A_99 : vector<16xi32>, vector<16xi1> -> vector<16xi32>
      %reduce_sum3A_101 = vector.extract %reduce_sum3A_100[15] : i32 from vector<16xi32>
      %gt3A = arith.constant 0 : i32
      %gt3A_102 = arith.cmpi sgt, %reduce_sum3A_101, %gt3A : i32
      %sub3A_103 = arith.constant 16 : i32
      %sub3A_104 = arith.subi %sub3A_103, %reduce_sum3A_101 : i32
      %broadcast_in_dim3A_105 = vector.broadcast %while3A_26 : f32 to vector<16xf32>
      %select_n3A_106 = arith.select %ge3A_95, %masked_cumsum3A, %broadcast_in_dim3A_105 : vector<16xi1>, vector<16xf32>
      %reduce_min3A = arith.constant true
      %reduce_min3A_107 = vector.broadcast %reduce_min3A : i1 to vector<16xi1>
      %reduce_min3A_108 = tpu.scan <min>, %select_n3A_106 masked %reduce_min3A_107 : vector<16xf32>, vector<16xi1> -> vector<16xf32>
      %reduce_min3A_109 = vector.extract %reduce_min3A_108[15] : f32 from vector<16xf32>
      %eq3A = vector.broadcast %sub3A_104 : i32 to vector<16xi32>
      %eq3A_110 = arith.cmpi eq, %iota3A, %eq3A : vector<16xi32>
      %jit3A_111 = arith.constant 0.000000e+00 : f32
      %broadcast_in_dim3A_112 = vector.broadcast %jit3A_111 : f32 to vector<16xf32>
      %select_n3A_113 = arith.select %eq3A_110, %rev3A_90, %broadcast_in_dim3A_112 : vector<16xi1>, vector<16xf32>
      %reduce_sum3A_114 = arith.constant true
      %reduce_sum3A_115 = vector.broadcast %reduce_sum3A_114 : i1 to vector<16xi1>
      %reduce_sum3A_116 = tpu.scan <sum>, %select_n3A_113 masked %reduce_sum3A_115 : vector<16xf32>, vector<16xi1> -> vector<16xf32>
      %reduce_sum3A_117 = vector.extract %reduce_sum3A_116[15] : f32 from vector<16xf32>
      %mul3A_118 = arith.constant 16 : i32
      %mul3A_119 = arith.muli %while3A_77, %mul3A_118 : i32
      %add3A_120 = arith.constant 15 : i32
      %add3A_121 = arith.addi %mul3A_119, %add3A_120 : i32
      %sub3A_122 = arith.subi %add3A_121, %sub3A_104 : i32
      %add3A_123 = arith.addf %while3A_78, %reduce_min3A_109 : f32
      %sub3A_124 = arith.subf %add3A_123, %reduce_sum3A_117 : f32
      %reduce_sum3A_125 = arith.constant true
      %reduce_sum3A_126 = vector.broadcast %reduce_sum3A_125 : i1 to vector<16xi1>
      %reduce_sum3A_127 = tpu.scan <sum>, %get3A_86 masked %reduce_sum3A_126 : vector<16xf32>, vector<16xi1> -> vector<16xf32>
      %reduce_sum3A_128 = vector.extract %reduce_sum3A_127[15] : f32 from vector<16xf32>
      %add3A_129 = arith.addf %while3A_78, %reduce_sum3A_128 : f32
      %sub3A_130 = arith.constant 1 : i32
      %sub3A_131 = arith.subi %while3A_77, %sub3A_130 : i32
      %select_n3A_132 = arith.select %gt3A_102, %while3A_78, %add3A_129 : f32
      %select_n3A_133 = arith.select %gt3A_102, %sub3A_122, %while3A_79 : i32
      %select_n3A_134 = arith.select %gt3A_102, %sub3A_124, %while3A_80 : f32
      scf.yield %sub3A_131, %select_n3A_132, %select_n3A_133, %select_n3A_134, %gt3A_102 : i32, f32, i32, f32, i1
    }
    %broadcast_in_dim3A_33 = arith.constant 0.000000e+00 : f32
    %broadcast_in_dim3A_34 = vector.broadcast %broadcast_in_dim3A_33 : f32 to vector<16xf32>
    %parallel_loop3A_35 = arith.constant 0 : i32
    %parallel_loop3A_36 = arith.constant 32768 : i32
    %parallel_loop3A_37 = arith.constant 16 : i32
    scf.for %parallel_loop3A_77 = %parallel_loop3A_35 to %parallel_loop3A_36 step %parallel_loop3A_37  : i32 {
      %parallel_loop3A_78 = arith.index_cast %parallel_loop3A_77 : i32 to index
      %parallel_loop3A_79 = tpu.vector_load %arg6[%parallel_loop3A_78] {strides = array<i32>} : memref<32768xf32, #tpu.memory_space<vmem>>, vector<16xf32>,
      tpu.vector_store %arg6[%parallel_loop3A_78], %broadcast_in_dim3A_34 {strides = array<i32>} : memref<32768xf32, #tpu.memory_space<vmem>>, vector<16xf32>,
    } {sc.loop_unroll_factor = 8 : i64, sc.parallel_access}
    %broadcast_in_dim3A_38 = arith.constant 1.000000e+00 : f32
    %broadcast_in_dim3A_39 = vector.broadcast %broadcast_in_dim3A_38 : f32 to vector<16xf32>
    %dma_start3A_40 = arith.constant 0 : i32
    %dma_start3A_41 = arith.constant 0 : i32
    %dma_start3A_42 = tpu.memref_slice %arg2[%add3A, %dma_start3A_40, %dma_start3A_41] : memref<32x1024x1024xf32, #tpu.memory_space<hbm>> -> memref<1x32x1024xf32, #tpu.memory_space<hbm>>
    %dma_start3A_43 = tpu.memref_squeeze %dma_start3A_42 : memref<1x32x1024xf32, #tpu.memory_space<hbm>> -> memref<32x1024xf32, #tpu.memory_space<hbm>>
    %dma_start3A_44 = arith.constant 0 : i32
    %dma_start3A_45 = arith.constant 0 : i32
    %dma_start3A_46 = tpu.memref_slice %arg2[%add3A, %dma_start3A_44, %dma_start3A_45] : memref<32x1024x1024xf32, #tpu.memory_space<hbm>> -> memref<1x32x1024xf32, #tpu.memory_space<hbm>>
    %dma_start3A_47 = tpu.memref_squeeze %dma_start3A_46 : memref<1x32x1024xf32, #tpu.memory_space<hbm>> -> memref<32x1024xf32, #tpu.memory_space<hbm>>
    tpu.enqueue_dma source(%dma_start3A_47 : memref<32x1024xf32, #tpu.memory_space<hbm>>) target(%arg4 : memref<32x1024xf32, #tpu.memory_space<vmem>>) target_semaphore(%arg8 : memref<!tpu.dma_semaphore, #tpu.memory_space<semaphore_mem>>)
    %dma_start3A_48 = arith.constant 32 : i32
    %dma_start3A_49 = arith.constant 0 : i32
    %dma_start3A_50 = tpu.memref_slice %arg2[%add3A, %dma_start3A_48, %dma_start3A_49] : memref<32x1024x1024xf32, #tpu.memory_space<hbm>> -> memref<1x32x1024xf32, #tpu.memory_space<hbm>>
    %dma_start3A_51 = tpu.memref_squeeze %dma_start3A_50 : memref<1x32x1024xf32, #tpu.memory_space<hbm>> -> memref<32x1024xf32, #tpu.memory_space<hbm>>
    %dma_start3A_52 = arith.constant 32 : i32
    %dma_start3A_53 = arith.constant 0 : i32
    %dma_start3A_54 = tpu.memref_slice %arg2[%add3A, %dma_start3A_52, %dma_start3A_53] : memref<32x1024x1024xf32, #tpu.memory_space<hbm>> -> memref<1x32x1024xf32, #tpu.memory_space<hbm>>
    %dma_start3A_55 = tpu.memref_squeeze %dma_start3A_54 : memref<1x32x1024xf32, #tpu.memory_space<hbm>> -> memref<32x1024xf32, #tpu.memory_space<hbm>>
    tpu.enqueue_dma source(%dma_start3A_55 : memref<32x1024xf32, #tpu.memory_space<hbm>>) target(%arg5 : memref<32x1024xf32, #tpu.memory_space<vmem>>) target_semaphore(%arg9 : memref<!tpu.dma_semaphore, #tpu.memory_space<semaphore_mem>>)
    %scan3A_56 = arith.constant 0 : i32
    %scan3A_57 = arith.constant 0 : i32
    %scan3A_58 = arith.constant 16 : i32
    %scan3A_59 = arith.addi %scan3A_57, %scan3A_58 : i32
    %scan3A_60 = arith.constant 1 : i32
    scf.for %scan3A_77 = %scan3A_57 to %scan3A_59 step %scan3A_60  : i32 {
      %mul3A_78 = arith.constant 2 : i32
      %mul3A_79 = arith.muli %scan3A_77, %mul3A_78 : i32
      %add3A_80 = arith.constant 0 : i32
      %add3A_81 = arith.addi %mul3A_79, %add3A_80 : i32
      %mul3A_82 = arith.constant 32 : i32
      %mul3A_83 = arith.muli %add3A_81, %mul3A_82 : i32
      %dma_wait3A = arith.constant 0 : i32
      %dma_wait3A_84 = tpu.memref_slice %arg2[%add3A, %mul3A_83, %dma_wait3A] : memref<32x1024x1024xf32, #tpu.memory_space<hbm>> -> memref<1x32x1024xf32, #tpu.memory_space<hbm>>
      %dma_wait3A_85 = tpu.memref_squeeze %dma_wait3A_84 : memref<1x32x1024xf32, #tpu.memory_space<hbm>> -> memref<32x1024xf32, #tpu.memory_space<hbm>>
      %dma_wait3A_86 = arith.constant 0 : i32
      %dma_wait3A_87 = tpu.memref_slice %arg2[%add3A, %mul3A_83, %dma_wait3A_86] : memref<32x1024x1024xf32, #tpu.memory_space<hbm>> -> memref<1x32x1024xf32, #tpu.memory_space<hbm>>
      %dma_wait3A_88 = tpu.memref_squeeze %dma_wait3A_87 : memref<1x32x1024xf32, #tpu.memory_space<hbm>> -> memref<32x1024xf32, #tpu.memory_space<hbm>>
      tpu.wait_dma2 semaphore(%arg8 : memref<!tpu.dma_semaphore, #tpu.memory_space<semaphore_mem>>) src(%dma_wait3A_88 : memref<32x1024xf32, #tpu.memory_space<hbm>>) dst(%arg4 : memref<32x1024xf32, #tpu.memory_space<vmem>>)
      %parallel_loop3A_89 = arith.constant 0 : i32
      %parallel_loop3A_90 = arith.constant 32768 : i32
      %parallel_loop3A_91 = arith.constant 32 : i32
      scf.for %parallel_loop3A_114 = %parallel_loop3A_89 to %parallel_loop3A_90 step %parallel_loop3A_91  : i32 {
        %parallel_loop3A_115 = arith.constant 10 : i32
        %parallel_loop3A_116 = arith.shrui %parallel_loop3A_114, %parallel_loop3A_115 : i32
        %parallel_loop3A_117 = arith.constant 1023 : i32
        %parallel_loop3A_118 = arith.andi %parallel_loop3A_114, %parallel_loop3A_117 : i32
        %parallel_loop3A_119 = arith.constant 0 : i32
        %parallel_loop3A_120 = arith.addi %parallel_loop3A_118, %parallel_loop3A_119 : i32
        %parallel_loop3A_121 = arith.index_cast %parallel_loop3A_116 : i32 to index
        %parallel_loop3A_122 = arith.index_cast %parallel_loop3A_120 : i32 to index
        %parallel_loop3A_123 = tpu.vector_load %arg4[%parallel_loop3A_121, %parallel_loop3A_122] {strides = array<i32>} : memref<32x1024xf32, #tpu.memory_space<vmem>>, vector<16xf32>,
        %parallel_loop3A_124 = tpu.bitcast %parallel_loop3A_123 : vector<16xf32> -> vector<16xi32>
        %parallel_loop3A_125 = arith.constant 32767 : i32
        %parallel_loop3A_126 = vector.broadcast %parallel_loop3A_125 : i32 to vector<16xi32>
        %parallel_loop3A_127 = arith.andi %parallel_loop3A_124, %parallel_loop3A_126 : vector<16xi32>
        %parallel_loop3A_128 = arith.constant 15 : i32
        %parallel_loop3A_129 = vector.broadcast %parallel_loop3A_128 : i32 to vector<16xi32>
        %parallel_loop3A_130 = arith.shrui %parallel_loop3A_124, %parallel_loop3A_129 : vector<16xi32>
        %parallel_loop3A_131 = vector.broadcast %while3A_32#2 : i32 to vector<16xi32>
        %parallel_loop3A_132 = arith.cmpi eq, %parallel_loop3A_130, %parallel_loop3A_131 : vector<16xi32>
        tpu.vector_store_idx %arg6[%parallel_loop3A_127], %broadcast_in_dim3A_39 masked %parallel_loop3A_132 {add = true} : memref<32768xf32, #tpu.memory_space<vmem>>[vector<16xi32>], vector<16xf32>, vector<16xi1>
        %parallel_loop3A_133 = arith.constant 16 : i32
        %parallel_loop3A_134 = arith.addi %parallel_loop3A_118, %parallel_loop3A_133 : i32
        %parallel_loop3A_135 = arith.index_cast %parallel_loop3A_116 : i32 to index
        %parallel_loop3A_136 = arith.index_cast %parallel_loop3A_134 : i32 to index
        %parallel_loop3A_137 = tpu.vector_load %arg4[%parallel_loop3A_135, %parallel_loop3A_136] {strides = array<i32>} : memref<32x1024xf32, #tpu.memory_space<vmem>>, vector<16xf32>,
        %parallel_loop3A_138 = tpu.bitcast %parallel_loop3A_137 : vector<16xf32> -> vector<16xi32>
        %parallel_loop3A_139 = arith.constant 32767 : i32
        %parallel_loop3A_140 = vector.broadcast %parallel_loop3A_139 : i32 to vector<16xi32>
        %parallel_loop3A_141 = arith.andi %parallel_loop3A_138, %parallel_loop3A_140 : vector<16xi32>
        %parallel_loop3A_142 = arith.constant 15 : i32
        %parallel_loop3A_143 = vector.broadcast %parallel_loop3A_142 : i32 to vector<16xi32>
        %parallel_loop3A_144 = arith.shrui %parallel_loop3A_138, %parallel_loop3A_143 : vector<16xi32>
        %parallel_loop3A_145 = vector.broadcast %while3A_32#2 : i32 to vector<16xi32>
        %parallel_loop3A_146 = arith.cmpi eq, %parallel_loop3A_144, %parallel_loop3A_145 : vector<16xi32>
        tpu.vector_store_idx %arg6[%parallel_loop3A_141], %broadcast_in_dim3A_39 masked %parallel_loop3A_146 {add = true} : memref<32768xf32, #tpu.memory_space<vmem>>[vector<16xi32>], vector<16xf32>, vector<16xi1>
      } {sc.loop_unroll_factor = 8 : i64, sc.parallel_access}
      %lt3A = arith.constant 15 : i32
      %lt3A_92 = arith.cmpi slt, %scan3A_77, %lt3A : i32
      %convert_element_type3A = arith.extui %lt3A_92 : i1 to i32
      %cond3A = arith.constant 0 : i32
      %cond3A_93 = arith.cmpi ne, %convert_element_type3A, %cond3A : i32
      scf.if %cond3A_93 {
        %add3A_114 = arith.constant 2 : i32
        %add3A_115 = arith.addi %add3A_81, %add3A_114 : i32
        %mul3A_116 = arith.constant 32 : i32
        %mul3A_117 = arith.muli %add3A_115, %mul3A_116 : i32
        %dma_start3A_118 = arith.constant 0 : i32
        %dma_start3A_119 = tpu.memref_slice %arg2[%add3A, %mul3A_117, %dma_start3A_118] : memref<32x1024x1024xf32, #tpu.memory_space<hbm>> -> memref<1x32x1024xf32, #tpu.memory_space<hbm>>
        %dma_start3A_120 = tpu.memref_squeeze %dma_start3A_119 : memref<1x32x1024xf32, #tpu.memory_space<hbm>> -> memref<32x1024xf32, #tpu.memory_space<hbm>>
        %dma_start3A_121 = arith.constant 0 : i32
        %dma_start3A_122 = tpu.memref_slice %arg2[%add3A, %mul3A_117, %dma_start3A_121] : memref<32x1024x1024xf32, #tpu.memory_space<hbm>> -> memref<1x32x1024xf32, #tpu.memory_space<hbm>>
        %dma_start3A_123 = tpu.memref_squeeze %dma_start3A_122 : memref<1x32x1024xf32, #tpu.memory_space<hbm>> -> memref<32x1024xf32, #tpu.memory_space<hbm>>
        tpu.enqueue_dma source(%dma_start3A_123 : memref<32x1024xf32, #tpu.memory_space<hbm>>) target(%arg4 : memref<32x1024xf32, #tpu.memory_space<vmem>>) target_semaphore(%arg8 : memref<!tpu.dma_semaphore, #tpu.memory_space<semaphore_mem>>)
      } else {
      }
      %mul3A_94 = arith.constant 2 : i32
      %mul3A_95 = arith.muli %scan3A_77, %mul3A_94 : i32
      %add3A_96 = arith.constant 1 : i32
      %add3A_97 = arith.addi %mul3A_95, %add3A_96 : i32
      %mul3A_98 = arith.constant 32 : i32
      %mul3A_99 = arith.muli %add3A_97, %mul3A_98 : i32
      %dma_wait3A_100 = arith.constant 0 : i32
      %dma_wait3A_101 = tpu.memref_slice %arg2[%add3A, %mul3A_99, %dma_wait3A_100] : memref<32x1024x1024xf32, #tpu.memory_space<hbm>> -> memref<1x32x1024xf32, #tpu.memory_space<hbm>>
      %dma_wait3A_102 = tpu.memref_squeeze %dma_wait3A_101 : memref<1x32x1024xf32, #tpu.memory_space<hbm>> -> memref<32x1024xf32, #tpu.memory_space<hbm>>
      %dma_wait3A_103 = arith.constant 0 : i32
      %dma_wait3A_104 = tpu.memref_slice %arg2[%add3A, %mul3A_99, %dma_wait3A_103] : memref<32x1024x1024xf32, #tpu.memory_space<hbm>> -> memref<1x32x1024xf32, #tpu.memory_space<hbm>>
      %dma_wait3A_105 = tpu.memref_squeeze %dma_wait3A_104 : memref<1x32x1024xf32, #tpu.memory_space<hbm>> -> memref<32x1024xf32, #tpu.memory_space<hbm>>
      tpu.wait_dma2 semaphore(%arg9 : memref<!tpu.dma_semaphore, #tpu.memory_space<semaphore_mem>>) src(%dma_wait3A_105 : memref<32x1024xf32, #tpu.memory_space<hbm>>) dst(%arg5 : memref<32x1024xf32, #tpu.memory_space<vmem>>)
      %parallel_loop3A_106 = arith.constant 0 : i32
      %parallel_loop3A_107 = arith.constant 32768 : i32
      %parallel_loop3A_108 = arith.constant 32 : i32
      scf.for %parallel_loop3A_114 = %parallel_loop3A_106 to %parallel_loop3A_107 step %parallel_loop3A_108  : i32 {
        %parallel_loop3A_115 = arith.constant 10 : i32
        %parallel_loop3A_116 = arith.shrui %parallel_loop3A_114, %parallel_loop3A_115 : i32
        %parallel_loop3A_117 = arith.constant 1023 : i32
        %parallel_loop3A_118 = arith.andi %parallel_loop3A_114, %parallel_loop3A_117 : i32
        %parallel_loop3A_119 = arith.constant 0 : i32
        %parallel_loop3A_120 = arith.addi %parallel_loop3A_118, %parallel_loop3A_119 : i32
        %parallel_loop3A_121 = arith.index_cast %parallel_loop3A_116 : i32 to index
        %parallel_loop3A_122 = arith.index_cast %parallel_loop3A_120 : i32 to index
        %parallel_loop3A_123 = tpu.vector_load %arg5[%parallel_loop3A_121, %parallel_loop3A_122] {strides = array<i32>} : memref<32x1024xf32, #tpu.memory_space<vmem>>, vector<16xf32>,
        %parallel_loop3A_124 = tpu.bitcast %parallel_loop3A_123 : vector<16xf32> -> vector<16xi32>
        %parallel_loop3A_125 = arith.constant 32767 : i32
        %parallel_loop3A_126 = vector.broadcast %parallel_loop3A_125 : i32 to vector<16xi32>
        %parallel_loop3A_127 = arith.andi %parallel_loop3A_124, %parallel_loop3A_126 : vector<16xi32>
        %parallel_loop3A_128 = arith.constant 15 : i32
        %parallel_loop3A_129 = vector.broadcast %parallel_loop3A_128 : i32 to vector<16xi32>
        %parallel_loop3A_130 = arith.shrui %parallel_loop3A_124, %parallel_loop3A_129 : vector<16xi32>
        %parallel_loop3A_131 = vector.broadcast %while3A_32#2 : i32 to vector<16xi32>
        %parallel_loop3A_132 = arith.cmpi eq, %parallel_loop3A_130, %parallel_loop3A_131 : vector<16xi32>
        tpu.vector_store_idx %arg6[%parallel_loop3A_127], %broadcast_in_dim3A_39 masked %parallel_loop3A_132 {add = true} : memref<32768xf32, #tpu.memory_space<vmem>>[vector<16xi32>], vector<16xf32>, vector<16xi1>
        %parallel_loop3A_133 = arith.constant 16 : i32
        %parallel_loop3A_134 = arith.addi %parallel_loop3A_118, %parallel_loop3A_133 : i32
        %parallel_loop3A_135 = arith.index_cast %parallel_loop3A_116 : i32 to index
        %parallel_loop3A_136 = arith.index_cast %parallel_loop3A_134 : i32 to index
        %parallel_loop3A_137 = tpu.vector_load %arg5[%parallel_loop3A_135, %parallel_loop3A_136] {strides = array<i32>} : memref<32x1024xf32, #tpu.memory_space<vmem>>, vector<16xf32>,
        %parallel_loop3A_138 = tpu.bitcast %parallel_loop3A_137 : vector<16xf32> -> vector<16xi32>
        %parallel_loop3A_139 = arith.constant 32767 : i32
        %parallel_loop3A_140 = vector.broadcast %parallel_loop3A_139 : i32 to vector<16xi32>
        %parallel_loop3A_141 = arith.andi %parallel_loop3A_138, %parallel_loop3A_140 : vector<16xi32>
        %parallel_loop3A_142 = arith.constant 15 : i32
        %parallel_loop3A_143 = vector.broadcast %parallel_loop3A_142 : i32 to vector<16xi32>
        %parallel_loop3A_144 = arith.shrui %parallel_loop3A_138, %parallel_loop3A_143 : vector<16xi32>
        %parallel_loop3A_145 = vector.broadcast %while3A_32#2 : i32 to vector<16xi32>
        %parallel_loop3A_146 = arith.cmpi eq, %parallel_loop3A_144, %parallel_loop3A_145 : vector<16xi32>
        tpu.vector_store_idx %arg6[%parallel_loop3A_141], %broadcast_in_dim3A_39 masked %parallel_loop3A_146 {add = true} : memref<32768xf32, #tpu.memory_space<vmem>>[vector<16xi32>], vector<16xf32>, vector<16xi1>
      } {sc.loop_unroll_factor = 8 : i64, sc.parallel_access}
      %lt3A_109 = arith.constant 15 : i32
      %lt3A_110 = arith.cmpi slt, %scan3A_77, %lt3A_109 : i32
      %convert_element_type3A_111 = arith.extui %lt3A_110 : i1 to i32
      %cond3A_112 = arith.constant 0 : i32
      %cond3A_113 = arith.cmpi ne, %convert_element_type3A_111, %cond3A_112 : i32
      scf.if %cond3A_113 {
        %add3A_114 = arith.constant 2 : i32
        %add3A_115 = arith.addi %add3A_97, %add3A_114 : i32
        %mul3A_116 = arith.constant 32 : i32
        %mul3A_117 = arith.muli %add3A_115, %mul3A_116 : i32
        %dma_start3A_118 = arith.constant 0 : i32
        %dma_start3A_119 = tpu.memref_slice %arg2[%add3A, %mul3A_117, %dma_start3A_118] : memref<32x1024x1024xf32, #tpu.memory_space<hbm>> -> memref<1x32x1024xf32, #tpu.memory_space<hbm>>
        %dma_start3A_120 = tpu.memref_squeeze %dma_start3A_119 : memref<1x32x1024xf32, #tpu.memory_space<hbm>> -> memref<32x1024xf32, #tpu.memory_space<hbm>>
        %dma_start3A_121 = arith.constant 0 : i32
        %dma_start3A_122 = tpu.memref_slice %arg2[%add3A, %mul3A_117, %dma_start3A_121] : memref<32x1024x1024xf32, #tpu.memory_space<hbm>> -> memref<1x32x1024xf32, #tpu.memory_space<hbm>>
        %dma_start3A_123 = tpu.memref_squeeze %dma_start3A_122 : memref<1x32x1024xf32, #tpu.memory_space<hbm>> -> memref<32x1024xf32, #tpu.memory_space<hbm>>
        tpu.enqueue_dma source(%dma_start3A_123 : memref<32x1024xf32, #tpu.memory_space<hbm>>) target(%arg5 : memref<32x1024xf32, #tpu.memory_space<vmem>>) target_semaphore(%arg9 : memref<!tpu.dma_semaphore, #tpu.memory_space<semaphore_mem>>)
      } else {
      }
    }
    %scan3A_61 = arith.constant 16 : i32
    %sub3A = arith.constant 3.276800e+04 : f32
    %sub3A_62 = arith.subf %sub3A, %while3A_32#3 : f32
    %iota3A_63 = tpu.iota {dimensions = array<i32: 0>} : vector<16xi32>
    %while3A_64 = arith.constant 3.000000e+09 : f32
    %while3A_65 = arith.constant 2047 : i32
    %while3A_66 = arith.constant 0.000000e+00 : f32
    %while3A_67 = arith.constant 0 : i32
    %while3A_68 = arith.constant 0.000000e+00 : f32
    %while3A_69 = arith.constant false
    %while3A_70:5 = scf.while (%while3A_77 = %while3A_65, %while3A_78 = %while3A_66, %while3A_79 = %while3A_67, %while3A_80 = %while3A_68, %while3A_81 = %while3A_69) : (i32, f32, i32, f32, i1) -> (i32, f32, i32, f32, i1) {
      %not3A = arith.constant true
      %not3A_82 = arith.xori %while3A_81, %not3A : i1
      %ge3A = arith.constant 0 : i32
      %ge3A_83 = arith.cmpi sge, %while3A_77, %ge3A : i32
      %and3A = arith.andi %not3A_82, %ge3A_83 : i1
      scf.condition(%and3A) %while3A_77, %while3A_78, %while3A_79, %while3A_80, %while3A_81 : i32, f32, i32, f32, i1
    } do {
    ^bb0(%while3A_77: i32, %while3A_78: f32, %while3A_79: i32, %while3A_80: f32, %while3A_81: i1):
      %mul3A_82 = arith.constant 16 : i32
      %mul3A_83 = arith.muli %while3A_77, %mul3A_82 : i32
      %add3A_84 = arith.constant 0 : i32
      %add3A_85 = arith.addi %add3A_84, %mul3A_83 : i32
      %get3A = arith.index_cast %add3A_85 : i32 to index
      %get3A_86 = tpu.vector_load %arg6[%get3A] {strides = array<i32>} : memref<32768xf32, #tpu.memory_space<vmem>>, vector<16xf32>,
      %rev3A = arith.constant 15 : i32
      %rev3A_87 = vector.broadcast %rev3A : i32 to vector<16xi32>
      %rev3A_88 = tpu.iota {dimensions = array<i32: 0>} : vector<16xi32>
      %rev3A_89 = arith.subi %rev3A_87, %rev3A_88 : vector<16xi32>
      %rev3A_90 = tpu.dynamic_gather %get3A_86[%rev3A_89] in [0] : vector<16xf32>, vector<16xi32> -> vector<16xf32>
      %broadcast_in_dim3A_91 = arith.constant true
      %broadcast_in_dim3A_92 = vector.broadcast %broadcast_in_dim3A_91 : i1 to vector<16xi1>
      %masked_cumsum3A = tpu.scan <sum>, %rev3A_90 masked %broadcast_in_dim3A_92 : vector<16xf32>, vector<16xi1> -> vector<16xf32>
      %add3A_93 = vector.broadcast %while3A_78 : f32 to vector<16xf32>
      %add3A_94 = arith.addf %add3A_93, %masked_cumsum3A : vector<16xf32>
      %ge3A = vector.broadcast %sub3A_62 : f32 to vector<16xf32>
      %ge3A_95 = arith.cmpf oge, %add3A_94, %ge3A : vector<16xf32>
      %jit3A = arith.constant 1 : i32
      %jit3A_96 = arith.constant 0 : i32
      %broadcast_in_dim3A_97 = vector.broadcast %jit3A : i32 to vector<16xi32>
      %broadcast_in_dim3A_98 = vector.broadcast %jit3A_96 : i32 to vector<16xi32>
      %select_n3A = arith.select %ge3A_95, %broadcast_in_dim3A_97, %broadcast_in_dim3A_98 : vector<16xi1>, vector<16xi32>
      %reduce_sum3A = arith.constant true
      %reduce_sum3A_99 = vector.broadcast %reduce_sum3A : i1 to vector<16xi1>
      %reduce_sum3A_100 = tpu.scan <sum>, %select_n3A masked %reduce_sum3A_99 : vector<16xi32>, vector<16xi1> -> vector<16xi32>
      %reduce_sum3A_101 = vector.extract %reduce_sum3A_100[15] : i32 from vector<16xi32>
      %gt3A = arith.constant 0 : i32
      %gt3A_102 = arith.cmpi sgt, %reduce_sum3A_101, %gt3A : i32
      %sub3A_103 = arith.constant 16 : i32
      %sub3A_104 = arith.subi %sub3A_103, %reduce_sum3A_101 : i32
      %broadcast_in_dim3A_105 = vector.broadcast %while3A_64 : f32 to vector<16xf32>
      %select_n3A_106 = arith.select %ge3A_95, %masked_cumsum3A, %broadcast_in_dim3A_105 : vector<16xi1>, vector<16xf32>
      %reduce_min3A = arith.constant true
      %reduce_min3A_107 = vector.broadcast %reduce_min3A : i1 to vector<16xi1>
      %reduce_min3A_108 = tpu.scan <min>, %select_n3A_106 masked %reduce_min3A_107 : vector<16xf32>, vector<16xi1> -> vector<16xf32>
      %reduce_min3A_109 = vector.extract %reduce_min3A_108[15] : f32 from vector<16xf32>
      %eq3A = vector.broadcast %sub3A_104 : i32 to vector<16xi32>
      %eq3A_110 = arith.cmpi eq, %iota3A_63, %eq3A : vector<16xi32>
      %jit3A_111 = arith.constant 0.000000e+00 : f32
      %broadcast_in_dim3A_112 = vector.broadcast %jit3A_111 : f32 to vector<16xf32>
      %select_n3A_113 = arith.select %eq3A_110, %rev3A_90, %broadcast_in_dim3A_112 : vector<16xi1>, vector<16xf32>
      %reduce_sum3A_114 = arith.constant true
      %reduce_sum3A_115 = vector.broadcast %reduce_sum3A_114 : i1 to vector<16xi1>
      %reduce_sum3A_116 = tpu.scan <sum>, %select_n3A_113 masked %reduce_sum3A_115 : vector<16xf32>, vector<16xi1> -> vector<16xf32>
      %reduce_sum3A_117 = vector.extract %reduce_sum3A_116[15] : f32 from vector<16xf32>
      %mul3A_118 = arith.constant 16 : i32
      %mul3A_119 = arith.muli %while3A_77, %mul3A_118 : i32
      %add3A_120 = arith.constant 15 : i32
      %add3A_121 = arith.addi %mul3A_119, %add3A_120 : i32
      %sub3A_122 = arith.subi %add3A_121, %sub3A_104 : i32
      %add3A_123 = arith.addf %while3A_78, %reduce_min3A_109 : f32
      %sub3A_124 = arith.subf %add3A_123, %reduce_sum3A_117 : f32
      %reduce_sum3A_125 = arith.constant true
      %reduce_sum3A_126 = vector.broadcast %reduce_sum3A_125 : i1 to vector<16xi1>
      %reduce_sum3A_127 = tpu.scan <sum>, %get3A_86 masked %reduce_sum3A_126 : vector<16xf32>, vector<16xi1> -> vector<16xf32>
      %reduce_sum3A_128 = vector.extract %reduce_sum3A_127[15] : f32 from vector<16xf32>
      %add3A_129 = arith.addf %while3A_78, %reduce_sum3A_128 : f32
      %sub3A_130 = arith.constant 1 : i32
      %sub3A_131 = arith.subi %while3A_77, %sub3A_130 : i32
      %select_n3A_132 = arith.select %gt3A_102, %while3A_78, %add3A_129 : f32
      %select_n3A_133 = arith.select %gt3A_102, %sub3A_122, %while3A_79 : i32
      %select_n3A_134 = arith.select %gt3A_102, %sub3A_124, %while3A_80 : f32
      scf.yield %sub3A_131, %select_n3A_132, %select_n3A_133, %select_n3A_134, %gt3A_102 : i32, f32, i32, f32, i1
    }
    %shift_left3A = arith.constant 15 : i32
    %shift_left3A_71 = arith.shli %while3A_32#2, %shift_left3A : i32
    %or3A = arith.ori %shift_left3A_71, %while3A_70#2 : i32
    %broadcast_in_dim3A_72 = arith.constant 0 : i32
    %broadcast_in_dim3A_73 = vector.broadcast %broadcast_in_dim3A_72 : i32 to vector<16xi32>
    %add3A_74 = vector.broadcast %or3A : i32 to vector<16xi32>
    %add3A_75 = arith.addi %broadcast_in_dim3A_73, %add3A_74 : vector<16xi32>
    %swap3A = arith.constant 0 : index
    %swap3A_76 = tpu.vector_load %arg7[%swap3A] {strides = array<i32>} : memref<16xi32, #tpu.memory_space<vmem>>, vector<16xi32>,
    tpu.vector_store %arg7[%swap3A], %add3A_75 {strides = array<i32>} : memref<16xi32, #tpu.memory_space<vmem>>, vector<16xi32>,
    "tpu.region"() ({
      %run_scoped3A = tpu.sem_alloc : memref<!tpu.dma_semaphore, #tpu.memory_space<semaphore_mem>>
      %dma_start3A_77 = arith.constant 0 : i32
      %dma_start3A_78 = tpu.memref_slice %arg3[%add3A, %dma_start3A_77] : memref<32x16xi32, #tpu.memory_space<hbm>> -> memref<1x16xi32, #tpu.memory_space<hbm>>
      %dma_start3A_79 = tpu.memref_squeeze %dma_start3A_78 : memref<1x16xi32, #tpu.memory_space<hbm>> -> memref<16xi32, #tpu.memory_space<hbm>>
      %dma_start3A_80 = arith.constant 0 : i32
      %dma_start3A_81 = tpu.memref_slice %arg3[%add3A, %dma_start3A_80] : memref<32x16xi32, #tpu.memory_space<hbm>> -> memref<1x16xi32, #tpu.memory_space<hbm>>
      %dma_start3A_82 = tpu.memref_squeeze %dma_start3A_81 : memref<1x16xi32, #tpu.memory_space<hbm>> -> memref<16xi32, #tpu.memory_space<hbm>>
      tpu.enqueue_dma source(%arg7 : memref<16xi32, #tpu.memory_space<vmem>>) target(%dma_start3A_82 : memref<16xi32, #tpu.memory_space<hbm>>) target_semaphore(%run_scoped3A : memref<!tpu.dma_semaphore, #tpu.memory_space<semaphore_mem>>)
      %dma_wait3A = arith.constant 0 : i32
      %dma_wait3A_83 = tpu.memref_slice %arg3[%add3A, %dma_wait3A] : memref<32x16xi32, #tpu.memory_space<hbm>> -> memref<1x16xi32, #tpu.memory_space<hbm>>
      %dma_wait3A_84 = tpu.memref_squeeze %dma_wait3A_83 : memref<1x16xi32, #tpu.memory_space<hbm>> -> memref<16xi32, #tpu.memory_space<hbm>>
      %dma_wait3A_85 = arith.constant 0 : i32
      %dma_wait3A_86 = tpu.memref_slice %arg3[%add3A, %dma_wait3A_85] : memref<32x16xi32, #tpu.memory_space<hbm>> -> memref<1x16xi32, #tpu.memory_space<hbm>>
      %dma_wait3A_87 = tpu.memref_squeeze %dma_wait3A_86 : memref<1x16xi32, #tpu.memory_space<hbm>> -> memref<16xi32, #tpu.memory_space<hbm>>
      tpu.wait_dma2 semaphore(%run_scoped3A : memref<!tpu.dma_semaphore, #tpu.memory_space<semaphore_mem>>) src(%arg7 : memref<16xi32, #tpu.memory_space<vmem>>) dst(%dma_wait3A_87 : memref<16xi32, #tpu.memory_space<hbm>>)
      tpu.yield
    }) : () -> ()
    return
  }
}

module attributes {stable_mosaic.version = 14 : i64} {
  func.func @_gin_kernel(%arg0: i32, %arg1: memref<32x16xf32, #tpu.memory_space<smem>>, %arg2: memref<1x1024x1024xf32, #tpu.memory_space<vmem>>, %arg3: memref<1x1024x256xf32, #tpu.memory_space<vmem>>, %arg4: memref<256x256xf32, #tpu.memory_space<vmem>>, %arg5: memref<1x256xf32, #tpu.memory_space<vmem>>, %arg6: memref<1x1xf32, #tpu.memory_space<smem>>, %arg7: memref<1x1024x256xf32, #tpu.memory_space<vmem>>, %arg8: memref<1x1024x1024xf32, #tpu.memory_space<vmem>>) attributes {dimension_semantics = [#tpu.dimension_semantics<arbitrary>], iteration_bounds = array<i64: 32>, scalar_prefetch = 0 : i64, scratch_operands = 0 : i64, tpu.core_type = #tpu.core_type<tc>, window_params = [{transform_indices = @transform_0, window_bounds = array<i64: 32, 16>}, {transform_indices = @transform_1, window_bounds = array<i64: 1, 1024, 1024>}, {transform_indices = @transform_2, window_bounds = array<i64: 1, 1024, 256>}, {pipeline_mode = #tpu.pipeline_mode<synchronous>, transform_indices = @transform_3, window_bounds = array<i64: 256, 256>}, {pipeline_mode = #tpu.pipeline_mode<synchronous>, transform_indices = @transform_4, window_bounds = array<i64: 1, 256>}, {transform_indices = @transform_5, window_bounds = array<i64: 1, 1>}, {transform_indices = @transform_6, window_bounds = array<i64: 1, 1024, 256>}, {transform_indices = @transform_7, window_bounds = array<i64: 1, 1024, 1024>}]} {
    %get3A = arith.constant 0 : index
    %get3A_0 = arith.constant 0 : index
    %get3A_1 = arith.constant 0 : index
    %get3A_2 = vector.load %arg2[%get3A, %get3A_0, %get3A_1] : memref<1x1024x1024xf32, #tpu.memory_space<vmem>>, vector<1x1024x1024xf32>
    %get3A_3 = vector.shape_cast %get3A_2 : vector<1x1024x1024xf32> to vector<1024x1024xf32>
    %get3A_4 = arith.index_cast %arg0 : i32 to index
    %get3A_5 = arith.constant 0 : index
    %get3A_6 = memref.load %arg1[%get3A_4, %get3A_5] : memref<32x16xf32, #tpu.memory_space<smem>>
    %ge3A = vector.broadcast %get3A_6 : f32 to vector<1024x1024xf32>
    %ge3A_7 = arith.cmpf oge, %get3A_3, %ge3A : vector<1024x1024xf32>
    %jit3A = arith.constant 0.000000e+00 : f32
    %broadcast_in_dim3A = vector.broadcast %jit3A : f32 to vector<1024x1024xf32>
    %select_n3A = arith.select %ge3A_7, %get3A_3, %broadcast_in_dim3A : vector<1024x1024xi1>, vector<1024x1024xf32>
    %transpose3A = tpu.transpose %select_n3A, [1, 0] : vector<1024x1024xf32> -> vector<1024x1024xf32>
    %add3A = arith.addf %select_n3A, %transpose3A : vector<1024x1024xf32>
    %mul3A = arith.constant 5.000000e-01 : f32
    %mul3A_8 = vector.broadcast %mul3A : f32 to vector<1024x1024xf32>
    %mul3A_9 = arith.mulf %add3A, %mul3A_8 : vector<1024x1024xf32>
    %reduce_sum3A = arith.constant dense<0.000000e+00> : vector<1024xf32>
    %reduce_sum3A_10 = vector.multi_reduction <add>, %mul3A_9, %reduce_sum3A [1] : vector<1024x1024xf32> to vector<1024xf32>
    %gt3A = arith.constant 0.000000e+00 : f32
    %gt3A_11 = vector.broadcast %gt3A : f32 to vector<1024xf32>
    %gt3A_12 = arith.cmpf ogt, %reduce_sum3A_10, %gt3A_11 : vector<1024xf32>
    %jit3A_13 = arith.constant 1.000000e+00 : f32
    %broadcast_in_dim3A_14 = vector.broadcast %jit3A_13 : f32 to vector<1024xf32>
    %select_n3A_15 = arith.select %gt3A_12, %reduce_sum3A_10, %broadcast_in_dim3A_14 : vector<1024xi1>, vector<1024xf32>
    %rsqrt3A = math.rsqrt %select_n3A_15 : vector<1024xf32>
    %jit3A_16 = arith.constant 0.000000e+00 : f32
    %broadcast_in_dim3A_17 = vector.broadcast %jit3A_16 : f32 to vector<1024xf32>
    %select_n3A_18 = arith.select %gt3A_12, %rsqrt3A, %broadcast_in_dim3A_17 : vector<1024xi1>, vector<1024xf32>
    %broadcast_in_dim3A_19 = vector.shape_cast %select_n3A_18 : vector<1024xf32> to vector<1024x1xf32>
    %mul3A_20 = vector.broadcast %broadcast_in_dim3A_19 : vector<1024x1xf32> to vector<1024x1024xf32>
    %mul3A_21 = arith.mulf %mul3A_9, %mul3A_20 : vector<1024x1024xf32>
    %broadcast_in_dim3A_22 = vector.shape_cast %select_n3A_18 : vector<1024xf32> to vector<1x1024xf32>
    %mul3A_23 = vector.broadcast %broadcast_in_dim3A_22 : vector<1x1024xf32> to vector<1024x1024xf32>
    %mul3A_24 = arith.mulf %mul3A_21, %mul3A_23 : vector<1024x1024xf32>
    %swap3A = arith.constant 0 : index
    %swap3A_25 = arith.constant 0 : index
    %swap3A_26 = arith.constant 0 : index
    %swap3A_27 = vector.load %arg8[%swap3A, %swap3A_25, %swap3A_26] : memref<1x1024x1024xf32, #tpu.memory_space<vmem>>, vector<1x1024x1024xf32>
    %swap3A_28 = vector.shape_cast %swap3A_27 : vector<1x1024x1024xf32> to vector<1024x1024xf32>
    %swap3A_29 = vector.shape_cast %mul3A_24 : vector<1024x1024xf32> to vector<1x1024x1024xf32>
    tpu.vector_store %arg8[%swap3A, %swap3A_25, %swap3A_26], %swap3A_29 {strides = array<i32>} : memref<1x1024x1024xf32, #tpu.memory_space<vmem>>, vector<1x1024x1024xf32>,
    %get3A_30 = arith.constant 0 : index
    %get3A_31 = arith.constant 0 : index
    %get3A_32 = arith.constant 0 : index
    %get3A_33 = vector.load %arg3[%get3A_30, %get3A_31, %get3A_32] : memref<1x1024x256xf32, #tpu.memory_space<vmem>>, vector<1x1024x256xf32>
    %get3A_34 = vector.shape_cast %get3A_33 : vector<1x1024x256xf32> to vector<1024x256xf32>
    %dot_general3A = arith.constant dense<0.000000e+00> : vector<1024x256xf32>
    %dot_general3A_35 = tpu.matmul %mul3A_24, %get3A_34, %dot_general3A {dimension_numbers = #tpu.dot_dimension_numbers<[1], [0], [0], [1], [0, 0, 1, 1], [], []>, transpose_lhs_hint = false} : vector<1024x1024xf32>, vector<1024x256xf32>, vector<1024x256xf32> -> vector<1024x256xf32>
    %get3A_36 = arith.constant 0 : index
    %get3A_37 = arith.constant 0 : index
    %get3A_38 = memref.load %arg6[%get3A_36, %get3A_37] : memref<1x1xf32, #tpu.memory_space<smem>>
    %add3A_39 = arith.constant 1.000000e+00 : f32
    %add3A_40 = arith.addf %add3A_39, %get3A_38 : f32
    %mul3A_41 = vector.broadcast %add3A_40 : f32 to vector<1024x256xf32>
    %mul3A_42 = arith.mulf %mul3A_41, %get3A_34 : vector<1024x256xf32>
    %add3A_43 = arith.addf %mul3A_42, %dot_general3A_35 : vector<1024x256xf32>
    %get3A_44 = arith.constant 0 : index
    %get3A_45 = arith.constant 0 : index
    %get3A_46 = vector.load %arg4[%get3A_44, %get3A_45] : memref<256x256xf32, #tpu.memory_space<vmem>>, vector<256x256xf32>
    %dot_general3A_47 = arith.constant dense<0.000000e+00> : vector<1024x256xf32>
    %dot_general3A_48 = tpu.matmul %add3A_43, %get3A_46, %dot_general3A_47 {dimension_numbers = #tpu.dot_dimension_numbers<[1], [0], [0], [1], [0, 0, 1, 1], [], []>, transpose_lhs_hint = false} : vector<1024x256xf32>, vector<256x256xf32>, vector<1024x256xf32> -> vector<1024x256xf32>
    %get3A_49 = arith.constant 0 : index
    %get3A_50 = arith.constant 0 : index
    %get3A_51 = vector.load %arg5[%get3A_49, %get3A_50] : memref<1x256xf32, #tpu.memory_space<vmem>>, vector<1x256xf32>
    %get3A_52 = vector.shape_cast %get3A_51 : vector<1x256xf32> to vector<256xf32>
    %broadcast_in_dim3A_53 = vector.shape_cast %get3A_52 : vector<256xf32> to vector<1x256xf32>
    %add3A_54 = vector.broadcast %broadcast_in_dim3A_53 : vector<1x256xf32> to vector<1024x256xf32>
    %add3A_55 = arith.addf %dot_general3A_48, %add3A_54 : vector<1024x256xf32>
    %mul3A_56 = arith.constant 5.000000e-01 : f32
    %mul3A_57 = vector.broadcast %mul3A_56 : f32 to vector<1024x256xf32>
    %mul3A_58 = arith.mulf %mul3A_57, %add3A_55 : vector<1024x256xf32>
    %mul3A_59 = arith.constant 0.707106769 : f32
    %mul3A_60 = vector.broadcast %mul3A_59 : f32 to vector<1024x256xf32>
    %mul3A_61 = arith.mulf %add3A_55, %mul3A_60 : vector<1024x256xf32>
    %erf3A = math.erf %mul3A_61 : vector<1024x256xf32>
    %add3A_62 = arith.constant 1.000000e+00 : f32
    %add3A_63 = vector.broadcast %add3A_62 : f32 to vector<1024x256xf32>
    %add3A_64 = arith.addf %add3A_63, %erf3A : vector<1024x256xf32>
    %mul3A_65 = arith.mulf %mul3A_58, %add3A_64 : vector<1024x256xf32>
    %swap3A_66 = arith.constant 0 : index
    %swap3A_67 = arith.constant 0 : index
    %swap3A_68 = arith.constant 0 : index
    %swap3A_69 = vector.load %arg7[%swap3A_66, %swap3A_67, %swap3A_68] : memref<1x1024x256xf32, #tpu.memory_space<vmem>>, vector<1x1024x256xf32>
    %swap3A_70 = vector.shape_cast %swap3A_69 : vector<1x1024x256xf32> to vector<1024x256xf32>
    %swap3A_71 = vector.shape_cast %mul3A_65 : vector<1024x256xf32> to vector<1x1024x256xf32>
    tpu.vector_store %arg7[%swap3A_66, %swap3A_67, %swap3A_68], %swap3A_71 {strides = array<i32>} : memref<1x1024x256xf32, #tpu.memory_space<vmem>>, vector<1x1024x256xf32>,
    return
  }
  func.func @transform_0(%arg0: i32) -> (i32, i32) {
    %c0_i32 = arith.constant 0 : i32
    %c0_i32_0 = arith.constant 0 : i32
    %c0_i32_1 = arith.constant 0 : i32
    return %c0_i32, %c0_i32_0 : i32, i32
  }
  func.func @transform_1(%arg0: i32) -> (i32, i32, i32) {
    %c0_i32 = arith.constant 0 : i32
    %c0_i32_0 = arith.constant 0 : i32
    %c0_i32_1 = arith.constant 0 : i32
    return %arg0, %c0_i32, %c0_i32_0 : i32, i32, i32
  }
  func.func @transform_2(%arg0: i32) -> (i32, i32, i32) {
    %c0_i32 = arith.constant 0 : i32
    %c0_i32_0 = arith.constant 0 : i32
    %c0_i32_1 = arith.constant 0 : i32
    return %arg0, %c0_i32, %c0_i32_0 : i32, i32, i32
  }
  func.func @transform_3(%arg0: i32) -> (i32, i32) {
    %c0_i32 = arith.constant 0 : i32
    %c0_i32_0 = arith.constant 0 : i32
    %c0_i32_1 = arith.constant 0 : i32
    return %c0_i32, %c0_i32_0 : i32, i32
  }
  func.func @transform_4(%arg0: i32) -> (i32, i32) {
    %c0_i32 = arith.constant 0 : i32
    %c0_i32_0 = arith.constant 0 : i32
    %c0_i32_1 = arith.constant 0 : i32
    return %c0_i32, %c0_i32_0 : i32, i32
  }
  func.func @transform_5(%arg0: i32) -> (i32, i32) {
    %c0_i32 = arith.constant 0 : i32
    %c0_i32_0 = arith.constant 0 : i32
    %c0_i32_1 = arith.constant 0 : i32
    return %c0_i32, %c0_i32_0 : i32, i32
  }
  func.func @transform_6(%arg0: i32) -> (i32, i32, i32) {
    %c0_i32 = arith.constant 0 : i32
    %c0_i32_0 = arith.constant 0 : i32
    %c0_i32_1 = arith.constant 0 : i32
    return %arg0, %c0_i32, %c0_i32_0 : i32, i32, i32
  }
  func.func @transform_7(%arg0: i32) -> (i32, i32, i32) {
    %c0_i32 = arith.constant 0 : i32
    %c0_i32_0 = arith.constant 0 : i32
    %c0_i32_1 = arith.constant 0 : i32
    return %arg0, %c0_i32, %c0_i32_0 : i32, i32, i32
  }
}

</mosaic_0001>

<sc_bundles>
// kernel: kernel.4.cloned.1.call-start
scs
__scs_entry_jumppad:
0x0: {  	(pc) =	sbr.rel $0x88, $3  }
0x1: {  	(tag) =	ssettag $0x0;
	lr =	simm.s32 $0x1  }
0x2: {  	[smem:$0x3F9C] =	sst lr;
	_ =	strace $0xD0000000  }
0x3: {  	_ = 	snop  }
0x4: {  	_ = 	snop  }
0x5: {  	_ = 	snop  }
0x6: {  	_ = 	snop  }
0x7: {  	_ = 	snop  }
__scs_overlays_trampoline_lowered:
0x8: {  	[smem:$0x3FAB] =	sst s0  }
0x9: {  	[smem:$0x3FAC] =	sst s1  }
0xa: {  	[smem:$0x3FAD] =	sst s2  }
0xb: {  	[smem:$0x3FAE] =	sst s3  }
0xc: {  	[smem:$0x3FAF] =	sst s4  }
0xd: {  	[smem:$0x3FB0] =	sst s5  }
0xe: {  	[smem:$0x3FB1] =	sst s6  }
0xf: {  	[smem:$0x3FB2] =	sst s7  }
0x10: {  	[smem:$0x3FB3] =	sst s8  }
0x11: {  	[smem:$0x3FB4] =	sst s9;
	s0 =	simm.s32 @!p0 $0x0  }
0x12: {  	s1 =	sld [smem:$0x3F9A];
	s0 =	simm.s32 @p0 $0x1  }
0x13: {  	[smem:$0x3FB5] =	sst s0;
	s0 =	simm.s32 @!p1 $0x0  }
0x14: {  	s2 =	sld [smem:$0x3F99];
	s0 =	simm.s32 @p1 $0x1  }
0x15: {  	[smem:$0x3FB6] =	sst s0;
	s0 =	simm.s32 @!p2 $0x0  }
0x16: {  	s3 =	sld [smem:$0x3FDB];
	s0 =	simm.s32 @p2 $0x1  }
0x17: {  	s4 =	simm.s32 $0x1BF5;
	[smem:$0x3FB8] =	sst s0  }
0x18: {  	s0 =	sld [smem:$0x3F9B];
	_ =	swait.ge [sflag:s4], $0x0  }
0x19: {  	s7 =	sld [smem:$0x3F9C]  }
0x1a: {  	s8 =	sadd.s32 $0xFFFFE003, lr  }
0x1b: {  	s9 =	sadd.s32 $0xFFFFFEF7, lr;
	s5 =	simm.s32 $0xFFFFFFFF;
	p2 =	slt.u32 s8, $0xFFFFF086  }
0x1c: {  	p1 =	slt.u32 s9, $0xF7A;
	s5 =	simm.s32 @!p2 $0x0  }
0x1d: {  	s5 =	simm.s32 @p1 $0x1;
	p0 =	seq.s32 s7, s2  }
0x1e: {  	s7 =	smul.u32 @!p0 $0xF7A, s2;
	p2 =	seq.s32 @!p0 s5, $0x0  }
0x1f: {  	s9 =	smul.u32 $0xF7A, s1;
	s8 =	simm.s32 @!p0 $0x1BF5;
	p2 =	por !p2, p0  }
0x20: {  	[sflag:s8] =	ssyncset.s32 @!p0 $0xFFFFF086;
	s6 =	sadd.s32 @!p0 s3, s7;
	s7 =	simm.s32 @!p0 $0x108  }
0x21: {  	s3 =	sadd.s32 s3, s9;
	s6 =	sadd.s32 @!p0 $0x88, s6;
	s7 =	simm.s32 @p2 $0x1082  }
0x22: {  	[simem:s7], [sflag:s8] =	dma.local @!p0 [hbm:s6], $0xF7A  }
0x23: {  	s9 =	sor.u32 $0xD0000000, s2;
	s6 =	simm.s32 $0x108;
	_ =	swait.ge @!p0 [sflag:s8], $0x0  }
0x24: {  	s3 =	sadd.s32 $0x88, s3;
	s6 =	simm.s32 @!p1 $0x1082;
	[sflag:s4] =	ssyncset.s32 $0xFFFFF086  }
0x25: {  	[simem:s6], [sflag:s4] =	dma.local [hbm:s3], $0xF7A  }
0x26: {  	[smem:$0x3F9C] =	sst s1;
	(tag) =	ssettag s2;
	_ =	strace s9  }
0x27: {  	s1 =	sld [smem:$0x3FAC]  }
0x28: {  	s2 =	sld [smem:$0x3FAD]  }
0x29: {  	s4 =	sld [smem:$0x3FAF]  }
0x2a: {  	p0 =	seq.s32 s5, $0x0;
	s5 =	sld [smem:$0x3FB0]  }
0x2b: {  	s6 =	sld [smem:$0x3FB1]  }
0x2c: {  	s7 =	sld [smem:$0x3FB2]  }
0x2d: {  	s3 =	simm.s32 $0x108;
	s8 =	sld [smem:$0x3FB3]  }
0x2e: {  	s3 =	simm.s32 @!p0 $0x1082;
	s9 =	sld [smem:$0x3FB4]  }
0x2f: {  	lr =	sadd.s32 s0, s3;
	s0 =	sld [smem:$0x3FAB]  }
0x30: {  	s3 =	sld [smem:$0x3FAE]  }
0x31: {  	[smem:$0x3FB7] =	sst s10  }
0x32: {  	s10 =	sld [smem:$0x3FB5];
	_ =	sdelay $0x3  }
0x33: {  	p0 =	seq.s32 s10, $0x1;
	s10 =	sld [smem:$0x3FB7];
	_ =	sdelay $0x3  }
0x34: {  	[smem:$0x3FB7] =	sst s10  }
0x35: {  	s10 =	sld [smem:$0x3FB6];
	_ =	sdelay $0x3  }
0x36: {  	p1 =	seq.s32 s10, $0x1;
	s10 =	sld [smem:$0x3FB7];
	_ =	sdelay $0x3  }
0x37: {  	[smem:$0x3FB7] =	sst s10  }
0x38: {  	s10 =	sld [smem:$0x3FB8]  }
0x39: {  	_ = 	snop;
	(pc) =	sbr.ind lr, $3  }
0x3a: {  	_ = 	snop  }
0x3b: {  	_ = 	snop  }
0x3c: {  	p2 =	seq.s32 s10, $0x1;
	s10 =	sld [smem:$0x3FB7]  }
0x3d: {  	_ =	shalt  }
0x3e: {  	_ =	shalt  }
0x3f: {  	_ =	shalt  }
0x40: {  	_ =	shalt  }
0x41: {  	_ =	shalt  }
0x42: {  	_ =	shalt  }
0x43: {  	_ =	shalt  }
0x44: {  	_ =	shalt  }
0x45: {  	_ =	shalt  }
0x46: {  	_ =	shalt  }
0x47: {  	_ =	shalt  }
0x48: {  	_ =	shalt  }
0x49: {  	_ =	shalt  }
0x4a: {  	_ =	shalt  }
0x4b: {  	_ =	shalt  }
0x4c: {  	_ =	shalt  }
0x4d: {  	_ =	shalt  }
0x4e: {  	_ =	shalt  }
0x4f: {  	_ =	shalt  }
0x50: {  	_ =	shalt  }
0x51: {  	_ =	shalt  }
0x52: {  	_ =	shalt  }
0x53: {  	_ =	shalt  }
0x54: {  	_ =	shalt  }
0x55: {  	_ =	shalt  }
0x56: {  	_ =	shalt  }
0x57: {  	_ =	shalt  }
0x58: {  	_ =	shalt  }
0x59: {  	_ =	shalt  }
0x5a: {  	_ =	shalt  }
0x5b: {  	_ =	shalt  }
0x5c: {  	_ =	shalt  }
0x5d: {  	_ =	shalt  }
0x5e: {  	_ =	shalt  }
0x5f: {  	_ =	shalt  }
0x60: {  	_ =	shalt  }
0x61: {  	_ =	shalt  }
0x62: {  	_ =	shalt  }
0x63: {  	_ =	shalt  }
0x64: {  	_ =	shalt  }
0x65: {  	_ =	shalt  }
0x66: {  	_ =	shalt  }
0x67: {  	_ =	shalt  }
0x68: {  	_ =	shalt  }
0x69: {  	_ =	shalt  }
0x6a: {  	_ =	shalt  }
0x6b: {  	_ =	shalt  }
0x6c: {  	_ =	shalt  }
0x6d: {  	_ =	shalt  }
0x6e: {  	_ =	shalt  }
0x6f: {  	_ =	shalt  }
0x70: {  	_ =	shalt  }
0x71: {  	_ =	shalt  }
0x72: {  	_ =	shalt  }
0x73: {  	_ =	shalt  }
0x74: {  	_ =	shalt  }
0x75: {  	_ =	shalt  }
0x76: {  	_ =	shalt  }
0x77: {  	_ =	shalt  }
0x78: {  	_ =	shalt  }
0x79: {  	_ =	shalt  }
0x7a: {  	_ =	shalt  }
0x7b: {  	_ =	shalt  }
0x7c: {  	_ =	shalt  }
0x7d: {  	_ =	shalt  }
0x7e: {  	_ =	shalt  }
0x7f: {  	_ =	shalt  }
0x80: {  	_ =	shalt  }
0x81: {  	_ =	shalt  }
0x82: {  	_ =	shalt  }
0x83: {  	_ =	shalt  }
0x84: {  	_ =	shalt  }
0x85: {  	_ =	shalt  }
0x86: {  	_ =	shalt  }
0x87: {  	_ =	shalt  }
.Lfunc_end0:
.L_simem_size_0:
called_computation_lowered:
.L_overlay_start_0:
0x88: {  	s2 =	sld [smem:$0x3FD9]  }
0x89: {  	s3 =	sld [smem:$0x3FFE];
	_ =	sdelay $0x1  }
0x8a: {  	s1 =	srdreg.scid  }
0x8b: {  	s0 =	sand.u32 $0x1, s1  }
0x8c: {  	s15 =	sshll.u32 s0, $0xA;
	s2 =	sadd.s32 s3, s2  }
0x8d: {  	s2 =	sadd.s32 s2, s15  }
0x8e: {  	[smem:$0x3FC3] =	sst s2  }
0x8f: {  	_ = 	snop  }
0x90: {  	s2 =	sld [smem:$0x3FD0];
	_ =	sdelay $0x2  }
0x91: {  	s4 =	simm.s32 $0xA;
	s5 =	simm.s32 $0x10;
	s16 =	sld [smem:$0x3FC8]  }
0x92: {  	[smem:s5], [sflag:s4] =	dma.local [hbm:s2], $0x1  }
0x93: {  	_ =	swait.eq [sflag:s4], $0x1  }
0x94: {  	[sflag:s4] =	ssyncset.done $0x0  }
0x95: {  	[sflag:s4] =	ssyncadd.s32 $0xFFFFFFFF  }
0x96: {  	s17 =	sld [smem:$0x10];
	(tm) =	ssettm $0x1  }
0x97: {  	s18 =	sld [smem:$0x3FFB];
	_ =	sdelay $0x3  }
0x98: {  	_ =	strace s18  }
0x99: {  	s4 =	sld [smem:$0x3FFC];
	_ =	sdelay $0x3  }
0x9a: {  	_ =	strace s4  }
0x9b: {  	s4 =	sld [smem:$0x3FFD];
	_ =	sdelay $0x3  }
0x9c: {  	_ =	strace s4  }
0x9d: {  	_ =	strace $0x8FFFFFFF  }
0x9e: {  	s19 =	sld [smem:$0x3FDB];
	_ =	sdelay $0x1  }
0x9f: {  	s20 =	simm.s32 $_scs_section_size  }
0xa0: {  	s6 =	simm.s32 $_size__tile_overlayer_lowered;
	s7 =	simm.s32 $_tile_overlayer_lowered  }
0xa1: {  	s23 =	simm.s32 $0x1BFF;
	s22 =	sshll.u32 s7, $0x1;
	s4 =	sadd.s32 s20, s19  }
0xa2: {  	s8 =	simm.s32 $0x0;
	s21 =	sshll.u32 s6, $0x1;
	s6 =	sadd.s32 s22, s4  }
0xa3: {  	[timem:s8], [sflag:s23] =	dma.local [hbm:s6], s21  }
0xa4: {  	_ =	swait.ge [sflag:s23], s21  }
0xa5: {  	s5 =	ssub.s32 $0x0, s21;
	[sflag:s23] =	ssyncset.done $0x0  }
0xa6: {  	[sflag:s23] =	ssyncadd.s32 s5;
	_ =	sdelay $0x1  }
0xa7: {  	s24 =	simm.s32 $0x1B8B  }
0xa8: {  	_ =	swait.ge [sflag:s24], $0x1  }
0xa9: {  	[sflag:s24] =	ssyncset.done $0x0  }
0xaa: {  	s25 =	simm.s32 $0x1B8E;
	[sflag:s24] =	ssyncadd.s32 $0xFFFFFFFF  }
0xab: {  	s26 =	simm.s32 $execute0_lowered;
	[smem:$0x3FD2] =	sst s25  }
0xac: {  	s5 =	sshll.u32 s26, $0x1;
	_ =	strace $0x80000046;
	[dreg:$0x1] =	wrdreg $0xFFFFFFFF  }
0xad: {  	s28 =	simm.s32 $_size_execute0_lowered;
	s4 =	sadd.s32 s4, s5;
	[dreg:$0x0] =	wrdreg $0x0  }
0xae: {  	s5 =	sshll.u32 s28, $0x1;
	[dreg:$0x2] =	wrdreg s4  }
0xaf: {  	[dreg:$0x3] =	wrdreg s5  }
0xb0: {  	[dreg:$0x4] =	wrdreg $0xC0  }
0xb1: {  	_ =	task [dreg:s8], $0x5FFFF  }
0xb2: {  	[dreg:$0x1] =	wrdreg $0xFFFFFFFF  }
0xb3: {  	[dreg:$0x0] =	wrdreg $0x60  }
0xb4: {  	[dreg:$0x2] =	wrdreg s16  }
0xb5: {  	[dreg:$0x3] =	wrdreg s17  }
0xb6: {  	[dreg:$0x4] =	wrdreg $0x9  }
0xb7: {  	_ =	task.clear_ibuf [dreg:s8], $0x5FFFF;
	_ =	strace $0x90000046  }
0xb8: {  	s29 =	simm.s32 $0x9;
	_ =	strace $0x80000048  }
0xb9: {  	_ =	swait.ge [sflag:s29], $0x1  }
0xba: {  	[sflag:s29] =	ssyncadd.s32 $0xFFFFFFFF  }
0xbb: {  	_ =	strace $0x90000048  }
0xbc: {  	_ =	sfence  }
0xbd: {  	s30 =	sld [smem:$0x0];
	_ =	sdelay $0x2  }
0xbe: {  	s31 =	sshll.u32 s1, $0xD;
	s1 =	sshrl.u32 s1, $0x2  }
0xbf: {  	s3 =	sand.u32 $0x4000, s31;
	s1 =	sadd.s32 s1, s30  }
0xc0: {  	s0 =	sor.u32 s3, s0;
	s1 =	sshll.u32 s1, $0x11  }
0xc1: {  	s0 =	sor.u32 s1, s0  }
0xc2: {  	s0 =	sadd.s32 $0x8F2B, s0  }
0xc3: {  	[sflag:s0] =	ssyncadd.remote.s32 $0x1  }
0xc4: {  	_ =	sfence.sel $0xFFFF  }
0xc5: {  	[dreg:$0x0] =	wrdreg $0xFFFFFFFF;
	(pc) =	sbr.abs _section_cstart, $3  }
0xc6: {  	[dreg:$0x1] =	wrdreg $0xFFFFFFFF  }
0xc7: {  	_ =	task.clear_ibuf [dreg:s8], $0x2FFFF;
	_ =	strace $0x9FFFFFFF  }
0xc8: {  	(tm) =	ssettm $0x7FFFFFFF  }
0xc9: {  	_ =	shalt  }
tec
execute0_lowered:
.L_overlay_start_1:
0x0: {  	(tag) =	ssettag $0x1  }
0x1: {  	s2 =	rddreg [dreg:$0x0]  }
0x2: {  	s8 =	rddreg [dreg:$0x1]  }
0x3: {  	s3 =	srdreg.scid;
	s1 =	stileid.u32  }
0x4: {  	s0 =	rddreg [dreg:$0x2];
	s12 =	simm.s32 $0x10000;
	s13 =	simm.s32 $0x2  }
0x5: {  	s14 =	simm.s32 $0x10040;
	s15 =	simm.s32 $0x18000;
	s16 =	simm.s32 $0x3  }
0x6: {  	s17 =	simm.s32 $0x0;
	s4 =	sand.u32 $0x1, s3;
	s5 =	sshll.u32 s1, $0x1  }
0x7: {  	s3 =	simm.s32 $0x0;
	s6 =	ssub.s32 $0x2, s4;
	s7 =	sor.u32 s4, s5  }
0x8: {  	[smem:$0x7FF] =	sst s3;
	s31 =	sshrl.u32 s6, $0x1;
	s5 =	sshll.u32 s7, $0x11  }
0x9: {  	v0 =	vlaneseq.u32;
	_ =	strace $0x80000047;
	s10 =	sshll.u32 s7, $0x14;
	s11 =	sshll.u32 s7, $0x4  }
0xa: {  	v3 =	vmul.u32 $0xFFFFFFFF, v0;
	s9 =	ssub.s32 s6, s31;
	s4 =	sadd.s32 s2, s5;
	s6 =	sor.u32 $0x10000, s10  }
0xb: {  	v1 =	vimm.f32 $0.0e+00;
	s7 =	sor.u32 $0x18000, s10;
	s8 =	sadd.s32 s8, s11;
	s10 =	simm.s32 $0x8000  }
0xc: {  	v2 =	vimm.f32 $1.000000000e+00;
	v4 =	vimm.s32 $0x0;
	v3 =	vadd.s32 $0xF, v3;
	s11 =	simm.s32 $0x1;
	s5 =	sadd.s32 $0x1000, s4;
	s9 =	smax.u32 s9, $0x1  }
.LBB2_1:
0xd: {  	[tilespmem:s14+$0xFFFFFFC0] =	vst v1  }
0xe: {  	[tilespmem:s14+$0x30] =	vst v1  }
0xf: {  	[tilespmem:s14+$0x20] =	vst v1  }
0x10: {  	[tilespmem:s14+$0x10] =	vst v1  }
0x11: {  	[tilespmem:s14+$0x0] =	vst v1  }
0x12: {  	[tilespmem:s14+$0xFFFFFFF0] =	vst v1  }
0x13: {  	s18 =	simm.s32 $0x0;
	[tilespmem:s14+$0xFFFFFFE0] =	vst v1;
	s19 =	simm.s32 $0x10040  }
.LBB2_2:
0x14: {  	s18 =	sadd.s32 $0x80, s18;
	[tilespmem:s19+$0xFFFFFFD0] =	vst v1;
	s19 =	sadd.s32 $0x80, s19  }
0x15: {  	[tilespmem:s19+$0xFFFFFFC0] =	vst v1;
	p0 =	slt.u32 s18, $0x7F80  }
0x16: {  	[tilespmem:s19+$0x30] =	vst v1  }
.Ltmp0:
0x17: {  	[tilespmem:s19+$0x20] =	vst v1;
	(pc) =	sbr.rel @p0 .LBB2_2-.Ltmp0, $4  }
0x18: {  	[tilespmem:s19+$0x10] =	vst v1  }
0x19: {  	[tilespmem:s19+$0x0] =	vst v1  }
0x1a: {  	[tilespmem:s19+$0xFFFFFFF0] =	vst v1  }
0x1b: {  	[tilespmem:s19+$0xFFFFFFE0] =	vst v1  }
0x1c: {  	[tilespmem:s19+$0xFFFFFFD0] =	vst v1;
	s18 =	simm.s32 $0x0  }
0x1d: {  	[tilespmem:s18], [sflag:$0x1] =	stream.linear.gather [hbm4b:s4+s18], $0x8000, $0x38;
	[tilespmem:$0x18080] =	vst v63  }
0x1e: {  	s19 =	simm.s32 $0x0  }
0x1f: {  	[tilespmem:s10], [sflag:$0x2] =	stream.linear.gather [hbm4b:s5+s18], $0x8000, $0x38;
	[tilespmem:$0x18080] =	vst v63  }
.LBB2_4:
0x20: {  	s20 =	simm.s32 $0x0;
	s21 =	sand.u32 $0x6000, s18  }
0x21: {  	_ =	swait.ge [sflag:s11], $0x8000;
	s20 =	sand.u32 $0x6000, s20;
	s21 =	sshrl.u32 s21, $0x2  }
0x22: {  	s22 =	sand.u32 $0x380, s18;
	[sflag:s11] =	ssyncset.done $0x0;
	s20 =	sor.u32 s21, s20  }
0x23: {  	[sflag:s11] =	ssyncadd.s32 $0xFFFF8000;
	s21 =	sor.u32 s22, s20  }
0x24: {  	v5 =	vld [tilespmem:s21+$0x460]  }
0x25: {  	v6 =	vld [tilespmem:s21+$0x0]  }
0x26: {  	v7 =	vld [tilespmem:s21+$0x20]  }
0x27: {  	v8 =	vld [tilespmem:s21+$0x40]  }
0x28: {  	v9 =	vld [tilespmem:s21+$0x60]  }
0x29: {  	v5 =	vshrl.u32 v5, $0xF  }
0x2a: {  	v6 =	vshrl.u32 v6, $0xF  }
0x2b: {  	v10 =	vld [tilespmem:s21+$0x400];
	v7 =	vshrl.u32 v7, $0xF  }
0x2c: {  	v11 =	vld [tilespmem:s21+$0x420];
	v8 =	vshrl.u32 v8, $0xF  }
0x2d: {  	v12 =	vld [tilespmem:s21+$0x440];
	v9 =	vshrl.u32 v9, $0xF  }
0x2e: {  	[tilespmem:v5+s12+$0x0] =	vst.idx.add.f32.msk $0xffff, v2  }
0x2f: {  	[tilespmem:v6+s12+$0x0] =	vst.idx.add.f32.msk $0xffff, v2  }
0x30: {  	[tilespmem:v7+s12+$0x0] =	vst.idx.add.f32.msk $0xffff, v2  }
0x31: {  	v5 =	vshrl.u32 v10, $0xF;
	[tilespmem:v8+s12+$0x0] =	vst.idx.add.f32.msk $0xffff, v2  }
0x32: {  	v6 =	vshrl.u32 v11, $0xF;
	[tilespmem:v9+s12+$0x0] =	vst.idx.add.f32.msk $0xffff, v2  }
0x33: {  	v7 =	vshrl.u32 v12, $0xF;
	v10 =	vld [tilespmem:s21+$0x470]  }
0x34: {  	v8 =	vld [tilespmem:s21+$0x10]  }
0x35: {  	v9 =	vld [tilespmem:s21+$0x30]  }
0x36: {  	[tilespmem:v5+s12+$0x0] =	vst.idx.add.f32.msk $0xffff, v2  }
0x37: {  	[tilespmem:v6+s12+$0x0] =	vst.idx.add.f32.msk $0xffff, v2  }
0x38: {  	[tilespmem:v7+s12+$0x0] =	vst.idx.add.f32.msk $0xffff, v2;
	v5 =	vshrl.u32 v10, $0xF  }
0x39: {  	v7 =	vld [tilespmem:s21+$0x70]  }
0x3a: {  	v6 =	vshrl.u32 v8, $0xF;
	v8 =	vshrl.u32 v9, $0xF;
	v9 =	vld [tilespmem:s21+$0x410]  }
0x3b: {  	v11 =	vld [tilespmem:s21+$0x430]  }
0x3c: {  	s31 =	simm.s32 $0x2000;
	v13 =	vld [tilespmem:s21+$0x450]  }
0x3d: {  	s20 =	simm.s32 $0x100;
	s22 =	sand.u32 $0x6000, s31;
	[tilespmem:v5+s12+$0x0] =	vst.idx.add.f32.msk $0xffff, v2  }
0x3e: {  	s23 =	sand.u32 $0x6000, s20;
	s22 =	sshrl.u32 s22, $0x2;
	v5 =	vld [tilespmem:s21+$0x50];
	s21 =	simm.s32 $0x20  }
0x3f: {  	s22 =	sor.u32 s22, s23;
	[tilespmem:v6+s12+$0x0] =	vst.idx.add.f32.msk $0xffff, v2;
	s24 =	sand.u32 $0x380, s21  }
0x40: {  	[tilespmem:v8+s12+$0x0] =	vst.idx.add.f32.msk $0xffff, v2;
	s22 =	sor.u32 s24, s22  }
0x41: {  	v6 =	vld [tilespmem:s22+$0x460]  }
0x42: {  	v8 =	vld [tilespmem:s22+$0x0]  }
0x43: {  	v10 =	vld [tilespmem:s22+$0x20]  }
0x44: {  	v7 =	vshrl.u32 v7, $0xF;
	v14 =	vld [tilespmem:s22+$0x60]  }
0x45: {  	v12 =	vld [tilespmem:s22+$0x40];
	v5 =	vshrl.u32 v5, $0xF  }
0x46: {  	v16 =	vld [tilespmem:s22+$0x420];
	v6 =	vshrl.u32 v6, $0xF  }
0x47: {  	v15 =	vld [tilespmem:s22+$0x400];
	v8 =	vshrl.u32 v8, $0xF  }
0x48: {  	v17 =	vld [tilespmem:s22+$0x440];
	v10 =	vshrl.u32 v10, $0xF  }
0x49: {  	[tilespmem:v7+s12+$0x0] =	vst.idx.add.f32.msk $0xffff, v2;
	v7 =	vshrl.u32 v14, $0xF  }
0x4a: {  	[tilespmem:v5+s12+$0x0] =	vst.idx.add.f32.msk $0xffff, v2  }
0x4b: {  	v14 =	vshrl.u32 v16, $0xF;
	[tilespmem:v6+s12+$0x0] =	vst.idx.add.f32.msk $0xffff, v2  }
0x4c: {  	[tilespmem:v8+s12+$0x0] =	vst.idx.add.f32.msk $0xffff, v2  }
0x4d: {  	[tilespmem:v10+s12+$0x0] =	vst.idx.add.f32.msk $0xffff, v2  }
0x4e: {  	v5 =	vshrl.u32 v12, $0xF;
	[tilespmem:v7+s12+$0x0] =	vst.idx.add.f32.msk $0xffff, v2  }
0x4f: {  	v12 =	vld [tilespmem:s22+$0x470]  }
0x50: {  	v6 =	vshrl.u32 v15, $0xF;
	[tilespmem:v14+s12+$0x0] =	vst.idx.add.f32.msk $0xffff, v2  }
0x51: {  	v8 =	vshrl.u32 v17, $0xF;
	v7 =	vld [tilespmem:s22+$0x10]  }
0x52: {  	v14 =	vld [tilespmem:s22+$0x30]  }
0x53: {  	[tilespmem:v5+s12+$0x0] =	vst.idx.add.f32.msk $0xffff, v2  }
0x54: {  	v63 =	vld [tilespmem:s22+$0x50];
	v5 =	vshrl.u32 v12, $0xF  }
0x55: {  	[tilespmem:v6+s12+$0x0] =	vst.idx.add.f32.msk $0xffff, v2  }
0x56: {  	[tilespmem:v8+s12+$0x0] =	vst.idx.add.f32.msk $0xffff, v2  }
0x57: {  	v15 =	vshrl.u32 v9, $0xF;
	v12 =	vld [tilespmem:s22+$0x70]  }
0x58: {  	v6 =	vshrl.u32 v11, $0xF;
	v10 =	vld [tilespmem:s22+$0x410]  }
0x59: {  	[tilespmem:v5+s12+$0x0] =	vst.idx.add.f32.msk $0xffff, v2;
	v5 =	vshrl.u32 v13, $0xF;
	v13 =	vshrl.u32 v7, $0xF  }
0x5a: {  	v8 =	vld [tilespmem:s22+$0x430];
	v11 =	vshrl.u32 v14, $0xF  }
0x5b: {  	v9 =	vld [tilespmem:s22+$0x450]  }
0x5c: {  	[tilespmem:v15+s12+$0x0] =	vst.idx.add.f32.msk $0xffff, v2;
	s22 =	simm.s32 $0x4000;
	v7 =	vshrl.u32 v63, $0xF  }
.LBB2_5:
0x5d: {  	s20 =	sadd.s32 $0x100, s20;
	s23 =	sand.u32 $0x6000, s22;
	v12 =	vshrl.u32 v12, $0xF;
	[tilespmem:v6+s12+$0x0] =	vst.idx.add.f32.msk $0xffff, v2  }
0x5e: {  	s21 =	sadd.s32 $0x20, s21;
	s24 =	sand.u32 $0x6000, s20;
	s23 =	sshrl.u32 s23, $0x2;
	[tilespmem:v13+s12+$0x0] =	vst.idx.add.f32.msk $0xffff, v2;
	v14 =	vshrl.u32 v10, $0xF  }
0x5f: {  	s25 =	sand.u32 $0x380, s21;
	p0 =	slt.u32 s20, $0x7F00;
	s23 =	sor.u32 s23, s24;
	[tilespmem:v11+s12+$0x0] =	vst.idx.add.f32.msk $0xffff, v2;
	v6 =	vshrl.u32 v8, $0xF  }
0x60: {  	s23 =	sor.u32 s25, s23;
	[tilespmem:v5+s12+$0x0] =	vst.idx.add.f32.msk $0xffff, v2;
	v5 =	vshrl.u32 v9, $0xF  }
0x61: {  	v8 =	vld [tilespmem:s23+$0x460]  }
0x62: {  	v9 =	vld [tilespmem:s23+$0x0]  }
0x63: {  	v10 =	vld [tilespmem:s23+$0x20]  }
0x64: {  	v11 =	vld [tilespmem:s23+$0x40]  }
0x65: {  	v13 =	vld [tilespmem:s23+$0x60]  }
0x66: {  	v15 =	vld [tilespmem:s23+$0x400];
	v8 =	vshrl.u32 v8, $0xF  }
0x67: {  	v9 =	vshrl.u32 v9, $0xF;
	v16 =	vld [tilespmem:s23+$0x420]  }
0x68: {  	v10 =	vshrl.u32 v10, $0xF;
	v17 =	vld [tilespmem:s23+$0x440]  }
0x69: {  	v11 =	vshrl.u32 v11, $0xF;
	[tilespmem:v7+s12+$0x0] =	vst.idx.add.f32.msk $0xffff, v2  }
0x6a: {  	v7 =	vshrl.u32 v13, $0xF;
	[tilespmem:v12+s12+$0x0] =	vst.idx.add.f32.msk $0xffff, v2  }
0x6b: {  	v12 =	vshrl.u32 v15, $0xF;
	[tilespmem:v8+s12+$0x0] =	vst.idx.add.f32.msk $0xffff, v2  }
0x6c: {  	v8 =	vshrl.u32 v16, $0xF;
	v13 =	vld [tilespmem:s23+$0x470]  }
0x6d: {  	[tilespmem:v9+s12+$0x0] =	vst.idx.add.f32.msk $0xffff, v2;
	v9 =	vshrl.u32 v17, $0xF  }
0x6e: {  	[tilespmem:v10+s12+$0x0] =	vst.idx.add.f32.msk $0xffff, v2  }
0x6f: {  	[tilespmem:v11+s12+$0x0] =	vst.idx.add.f32.msk $0xffff, v2  }
0x70: {  	[tilespmem:v7+s12+$0x0] =	vst.idx.add.f32.msk $0xffff, v2  }
0x71: {  	[tilespmem:v12+s12+$0x0] =	vst.idx.add.f32.msk $0xffff, v2;
	v7 =	vshrl.u32 v13, $0xF  }
0x72: {  	[tilespmem:v8+s12+$0x0] =	vst.idx.add.f32.msk $0xffff, v2  }
0x73: {  	[tilespmem:v9+s12+$0x0] =	vst.idx.add.f32.msk $0xffff, v2  }
0x74: {  	v8 =	vld [tilespmem:s23+$0x10]  }
0x75: {  	v9 =	vld [tilespmem:s23+$0x30]  }
0x76: {  	[tilespmem:v7+s12+$0x0] =	vst.idx.add.f32.msk $0xffff, v2  }
0x77: {  	v7 =	vld [tilespmem:s23+$0x50]  }
.Ltmp1:
0x78: {  	v12 =	vld [tilespmem:s23+$0x70];
	(pc) =	sbr.rel @p0 .LBB2_5-.Ltmp1, $4  }
0x79: {  	v13 =	vshrl.u32 v8, $0xF;
	v10 =	vld [tilespmem:s23+$0x410]  }
0x7a: {  	v11 =	vshrl.u32 v9, $0xF;
	v8 =	vld [tilespmem:s23+$0x430]  }
0x7b: {  	v9 =	vld [tilespmem:s23+$0x450]  }
0x7c: {  	s22 =	sadd.s32 $0x2000, s22;
	v7 =	vshrl.u32 v7, $0xF;
	[tilespmem:v14+s12+$0x0] =	vst.idx.add.f32.msk $0xffff, v2  }
0x7d: {  	_ =	sdelay $0x3  }
0x7e: {  	v12 =	vshrl.u32 v12, $0xF;
	[tilespmem:v6+s12+$0x0] =	vst.idx.add.f32.msk $0xffff, v2  }
0x7f: {  	[tilespmem:v13+s12+$0x0] =	vst.idx.add.f32.msk $0xffff, v2;
	v6 =	vshrl.u32 v10, $0xF  }
0x80: {  	[tilespmem:v11+s12+$0x0] =	vst.idx.add.f32.msk $0xffff, v2;
	v8 =	vshrl.u32 v8, $0xF  }
0x81: {  	[tilespmem:v5+s12+$0x0] =	vst.idx.add.f32.msk $0xffff, v2;
	v9 =	vshrl.u32 v9, $0xF  }
0x82: {  	[tilespmem:v7+s12+$0x0] =	vst.idx.add.f32.msk $0xffff, v2  }
0x83: {  	s20 =	sshll.u32 s19, $0x10;
	p0 =	seq.s32 s19, $0xF;
	[tilespmem:v12+s12+$0x0] =	vst.idx.add.f32.msk $0xffff, v2  }
0x84: {  	s21 =	sadd.s32 @!p0 s20, s6;
	[tilespmem:v6+s12+$0x0] =	vst.idx.add.f32.msk $0xffff, v2  }
0x85: {  	s29 =	simm.s32 $0x0;
	s30 =	simm.s32 $0x0;
	s21 =	sshrl.u32 @!p0 s21, $0x3;
	[tilespmem:v8+s12+$0x0] =	vst.idx.add.f32.msk $0xffff, v2  }
0x86: {  	s22 =	simm.s32 @!p0 $0x0;
	s23 =	sand.u32 $0x6000, s29;
	s21 =	sadd.s32 @!p0 s2, s21;
	[tilespmem:v9+s12+$0x0] =	vst.idx.add.f32.msk $0xffff, v2  }
0x87: {  	[tilespmem:s22], [sflag:$0x1] =	stream.linear.gather @!p0 [hbm4b:s21+s22], $0x8000, $0x38;
	[tilespmem:$0x18080] =	vst v63  }
0x88: {  	s23 =	sshrl.u32 s23, $0x2;
	s22 =	sand.u32 $0x6000, s30;
	_ =	swait.ge [sflag:s13], $0x8000  }
0x89: {  	s21 =	sand.u32 $0x380, s29;
	s22 =	sor.u32 s23, s22;
	[sflag:s13] =	ssyncset.done $0x0  }
0x8a: {  	s22 =	sor.u32 s21, s22;
	[sflag:s13] =	ssyncadd.s32 $0xFFFF8000  }
0x8b: {  	v5 =	vld [tilespmem:s22+$0x8460]  }
0x8c: {  	v6 =	vld [tilespmem:s22+$0x8000]  }
0x8d: {  	v7 =	vld [tilespmem:s22+$0x8020]  }
0x8e: {  	v8 =	vld [tilespmem:s22+$0x8040]  }
0x8f: {  	v9 =	vld [tilespmem:s22+$0x8060]  }
0x90: {  	v5 =	vshrl.u32 v5, $0xF  }
0x91: {  	v6 =	vshrl.u32 v6, $0xF  }
0x92: {  	v10 =	vld [tilespmem:s22+$0x8400];
	v7 =	vshrl.u32 v7, $0xF  }
0x93: {  	v11 =	vld [tilespmem:s22+$0x8420];
	v8 =	vshrl.u32 v8, $0xF  }
0x94: {  	v12 =	vld [tilespmem:s22+$0x8440];
	v9 =	vshrl.u32 v9, $0xF  }
0x95: {  	[tilespmem:v5+s12+$0x0] =	vst.idx.add.f32.msk $0xffff, v2  }
0x96: {  	[tilespmem:v6+s12+$0x0] =	vst.idx.add.f32.msk $0xffff, v2  }
0x97: {  	[tilespmem:v7+s12+$0x0] =	vst.idx.add.f32.msk $0xffff, v2  }
0x98: {  	v5 =	vshrl.u32 v10, $0xF;
	[tilespmem:v8+s12+$0x0] =	vst.idx.add.f32.msk $0xffff, v2  }
0x99: {  	v6 =	vshrl.u32 v11, $0xF;
	[tilespmem:v9+s12+$0x0] =	vst.idx.add.f32.msk $0xffff, v2  }
0x9a: {  	v7 =	vshrl.u32 v12, $0xF;
	v10 =	vld [tilespmem:s22+$0x8470]  }
0x9b: {  	v8 =	vld [tilespmem:s22+$0x8010]  }
0x9c: {  	v9 =	vld [tilespmem:s22+$0x8030]  }
0x9d: {  	[tilespmem:v5+s12+$0x0] =	vst.idx.add.f32.msk $0xffff, v2  }
0x9e: {  	[tilespmem:v6+s12+$0x0] =	vst.idx.add.f32.msk $0xffff, v2  }
0x9f: {  	[tilespmem:v7+s12+$0x0] =	vst.idx.add.f32.msk $0xffff, v2;
	v5 =	vshrl.u32 v10, $0xF  }
0xa0: {  	v7 =	vld [tilespmem:s22+$0x8070]  }
0xa1: {  	v6 =	vshrl.u32 v8, $0xF;
	v8 =	vshrl.u32 v9, $0xF;
	v9 =	vld [tilespmem:s22+$0x8410]  }
0xa2: {  	v11 =	vld [tilespmem:s22+$0x8430]  }
0xa3: {  	s31 =	simm.s32 $0x2000;
	v13 =	vld [tilespmem:s22+$0x8450]  }
0xa4: {  	s23 =	sand.u32 $0x6000, s31;
	s21 =	simm.s32 $0x100;
	[tilespmem:v5+s12+$0x0] =	vst.idx.add.f32.msk $0xffff, v2  }
0xa5: {  	s23 =	sshrl.u32 s23, $0x2;
	s24 =	sand.u32 $0x6000, s21;
	v5 =	vld [tilespmem:s22+$0x8050];
	s22 =	simm.s32 $0x20  }
0xa6: {  	s23 =	sor.u32 s23, s24;
	[tilespmem:v6+s12+$0x0] =	vst.idx.add.f32.msk $0xffff, v2;
	s25 =	sand.u32 $0x380, s22  }
0xa7: {  	[tilespmem:v8+s12+$0x0] =	vst.idx.add.f32.msk $0xffff, v2;
	s23 =	sor.u32 s25, s23  }
0xa8: {  	v6 =	vld [tilespmem:s23+$0x8460]  }
0xa9: {  	v8 =	vld [tilespmem:s23+$0x8000]  }
0xaa: {  	v10 =	vld [tilespmem:s23+$0x8020]  }
0xab: {  	v7 =	vshrl.u32 v7, $0xF;
	v14 =	vld [tilespmem:s23+$0x8060]  }
0xac: {  	v12 =	vld [tilespmem:s23+$0x8040];
	v5 =	vshrl.u32 v5, $0xF  }
0xad: {  	v16 =	vld [tilespmem:s23+$0x8420];
	v6 =	vshrl.u32 v6, $0xF  }
0xae: {  	v15 =	vld [tilespmem:s23+$0x8400];
	v8 =	vshrl.u32 v8, $0xF  }
0xaf: {  	v17 =	vld [tilespmem:s23+$0x8440];
	v10 =	vshrl.u32 v10, $0xF  }
0xb0: {  	[tilespmem:v7+s12+$0x0] =	vst.idx.add.f32.msk $0xffff, v2;
	v7 =	vshrl.u32 v14, $0xF  }
0xb1: {  	[tilespmem:v5+s12+$0x0] =	vst.idx.add.f32.msk $0xffff, v2  }
0xb2: {  	v14 =	vshrl.u32 v16, $0xF;
	[tilespmem:v6+s12+$0x0] =	vst.idx.add.f32.msk $0xffff, v2  }
0xb3: {  	[tilespmem:v8+s12+$0x0] =	vst.idx.add.f32.msk $0xffff, v2  }
0xb4: {  	[tilespmem:v10+s12+$0x0] =	vst.idx.add.f32.msk $0xffff, v2  }
0xb5: {  	v5 =	vshrl.u32 v12, $0xF;
	[tilespmem:v7+s12+$0x0] =	vst.idx.add.f32.msk $0xffff, v2  }
0xb6: {  	v12 =	vld [tilespmem:s23+$0x8470]  }
0xb7: {  	v6 =	vshrl.u32 v15, $0xF;
	[tilespmem:v14+s12+$0x0] =	vst.idx.add.f32.msk $0xffff, v2  }
0xb8: {  	v8 =	vshrl.u32 v17, $0xF;
	v7 =	vld [tilespmem:s23+$0x8010]  }
0xb9: {  	v14 =	vld [tilespmem:s23+$0x8030]  }
0xba: {  	[tilespmem:v5+s12+$0x0] =	vst.idx.add.f32.msk $0xffff, v2  }
0xbb: {  	v63 =	vld [tilespmem:s23+$0x8050];
	v5 =	vshrl.u32 v12, $0xF  }
0xbc: {  	[tilespmem:v6+s12+$0x0] =	vst.idx.add.f32.msk $0xffff, v2  }
0xbd: {  	[tilespmem:v8+s12+$0x0] =	vst.idx.add.f32.msk $0xffff, v2  }
0xbe: {  	v15 =	vshrl.u32 v9, $0xF;
	v12 =	vld [tilespmem:s23+$0x8070]  }
0xbf: {  	v6 =	vshrl.u32 v11, $0xF;
	v10 =	vld [tilespmem:s23+$0x8410]  }
0xc0: {  	[tilespmem:v5+s12+$0x0] =	vst.idx.add.f32.msk $0xffff, v2;
	v5 =	vshrl.u32 v13, $0xF;
	v13 =	vshrl.u32 v7, $0xF  }
0xc1: {  	v8 =	vld [tilespmem:s23+$0x8430];
	v11 =	vshrl.u32 v14, $0xF  }
0xc2: {  	v9 =	vld [tilespmem:s23+$0x8450]  }
0xc3: {  	[tilespmem:v15+s12+$0x0] =	vst.idx.add.f32.msk $0xffff, v2;
	s23 =	simm.s32 $0x4000;
	v7 =	vshrl.u32 v63, $0xF  }
.LBB2_7:
0xc4: {  	s21 =	sadd.s32 $0x100, s21;
	s24 =	sand.u32 $0x6000, s23;
	v12 =	vshrl.u32 v12, $0xF;
	[tilespmem:v6+s12+$0x0] =	vst.idx.add.f32.msk $0xffff, v2  }
0xc5: {  	s22 =	sadd.s32 $0x20, s22;
	s25 =	sand.u32 $0x6000, s21;
	s24 =	sshrl.u32 s24, $0x2;
	[tilespmem:v13+s12+$0x0] =	vst.idx.add.f32.msk $0xffff, v2;
	v14 =	vshrl.u32 v10, $0xF  }
0xc6: {  	s26 =	sand.u32 $0x380, s22;
	p1 =	slt.u32 s21, $0x7F00;
	s24 =	sor.u32 s24, s25;
	[tilespmem:v11+s12+$0x0] =	vst.idx.add.f32.msk $0xffff, v2;
	v6 =	vshrl.u32 v8, $0xF  }
0xc7: {  	s24 =	sor.u32 s26, s24;
	[tilespmem:v5+s12+$0x0] =	vst.idx.add.f32.msk $0xffff, v2;
	v5 =	vshrl.u32 v9, $0xF  }
0xc8: {  	v8 =	vld [tilespmem:s24+$0x8460]  }
0xc9: {  	v9 =	vld [tilespmem:s24+$0x8000]  }
0xca: {  	v10 =	vld [tilespmem:s24+$0x8020]  }
0xcb: {  	v11 =	vld [tilespmem:s24+$0x8040]  }
0xcc: {  	v13 =	vld [tilespmem:s24+$0x8060]  }
0xcd: {  	v15 =	vld [tilespmem:s24+$0x8400];
	v8 =	vshrl.u32 v8, $0xF  }
0xce: {  	v9 =	vshrl.u32 v9, $0xF;
	v16 =	vld [tilespmem:s24+$0x8420]  }
0xcf: {  	v10 =	vshrl.u32 v10, $0xF;
	v17 =	vld [tilespmem:s24+$0x8440]  }
0xd0: {  	v11 =	vshrl.u32 v11, $0xF;
	[tilespmem:v7+s12+$0x0] =	vst.idx.add.f32.msk $0xffff, v2  }
0xd1: {  	v7 =	vshrl.u32 v13, $0xF;
	[tilespmem:v12+s12+$0x0] =	vst.idx.add.f32.msk $0xffff, v2  }
0xd2: {  	v12 =	vshrl.u32 v15, $0xF;
	[tilespmem:v8+s12+$0x0] =	vst.idx.add.f32.msk $0xffff, v2  }
0xd3: {  	v8 =	vshrl.u32 v16, $0xF;
	v13 =	vld [tilespmem:s24+$0x8470]  }
0xd4: {  	[tilespmem:v9+s12+$0x0] =	vst.idx.add.f32.msk $0xffff, v2;
	v9 =	vshrl.u32 v17, $0xF  }
0xd5: {  	[tilespmem:v10+s12+$0x0] =	vst.idx.add.f32.msk $0xffff, v2  }
0xd6: {  	[tilespmem:v11+s12+$0x0] =	vst.idx.add.f32.msk $0xffff, v2  }
0xd7: {  	[tilespmem:v7+s12+$0x0] =	vst.idx.add.f32.msk $0xffff, v2  }
0xd8: {  	[tilespmem:v12+s12+$0x0] =	vst.idx.add.f32.msk $0xffff, v2;
	v7 =	vshrl.u32 v13, $0xF  }
0xd9: {  	[tilespmem:v8+s12+$0x0] =	vst.idx.add.f32.msk $0xffff, v2  }
0xda: {  	[tilespmem:v9+s12+$0x0] =	vst.idx.add.f32.msk $0xffff, v2  }
0xdb: {  	v8 =	vld [tilespmem:s24+$0x8010]  }
0xdc: {  	v9 =	vld [tilespmem:s24+$0x8030]  }
0xdd: {  	[tilespmem:v7+s12+$0x0] =	vst.idx.add.f32.msk $0xffff, v2  }
0xde: {  	v7 =	vld [tilespmem:s24+$0x8050]  }
.Ltmp2:
0xdf: {  	v12 =	vld [tilespmem:s24+$0x8070];
	(pc) =	sbr.rel @p1 .LBB2_7-.Ltmp2, $4  }
0xe0: {  	v13 =	vshrl.u32 v8, $0xF;
	v10 =	vld [tilespmem:s24+$0x8410]  }
0xe1: {  	v11 =	vshrl.u32 v9, $0xF;
	v8 =	vld [tilespmem:s24+$0x8430]  }
0xe2: {  	v9 =	vld [tilespmem:s24+$0x8450]  }
0xe3: {  	s23 =	sadd.s32 $0x2000, s23;
	v7 =	vshrl.u32 v7, $0xF;
	[tilespmem:v14+s12+$0x0] =	vst.idx.add.f32.msk $0xffff, v2  }
0xe4: {  	_ =	sdelay $0x3  }
0xe5: {  	v12 =	vshrl.u32 v12, $0xF;
	[tilespmem:v6+s12+$0x0] =	vst.idx.add.f32.msk $0xffff, v2  }
0xe6: {  	[tilespmem:v13+s12+$0x0] =	vst.idx.add.f32.msk $0xffff, v2;
	v6 =	vshrl.u32 v10, $0xF  }
0xe7: {  	[tilespmem:v11+s12+$0x0] =	vst.idx.add.f32.msk $0xffff, v2;
	v8 =	vshrl.u32 v8, $0xF  }
0xe8: {  	[tilespmem:v5+s12+$0x0] =	vst.idx.add.f32.msk $0xffff, v2;
	v9 =	vshrl.u32 v9, $0xF  }
.Ltmp3:
0xe9: {  	[tilespmem:v7+s12+$0x0] =	vst.idx.add.f32.msk $0xffff, v2;
	(pc) =	sbr.rel @p0 .LBB2_9-.Ltmp3, $4  }
0xea: {  	[tilespmem:v12+s12+$0x0] =	vst.idx.add.f32.msk $0xffff, v2  }
0xeb: {  	[tilespmem:v6+s12+$0x0] =	vst.idx.add.f32.msk $0xffff, v2  }
0xec: {  	[tilespmem:v8+s12+$0x0] =	vst.idx.add.f32.msk $0xffff, v2  }
0xed: {  	[tilespmem:v9+s12+$0x0] =	vst.idx.add.f32.msk $0xffff, v2  }
.Ltmp4:
0xee: {  	(pc) =	sbr.rel .LBB2_4-.Ltmp4, $4  }
0xef: {  	s20 =	sadd.s32 s20, s7  }
0xf0: {  	s20 =	sshrl.u32 s20, $0x3  }
0xf1: {  	s19 =	sadd.s32 $0x1, s19;
	s20 =	sadd.s32 s2, s20  }
0xf2: {  	[tilespmem:s10], [sflag:$0x2] =	stream.linear.gather [hbm4b:s20+s3], $0x8000, $0x38;
	[tilespmem:$0x18080] =	vst v63  }
.LBB2_9:
0xf3: {  	s18 =	simm.s32 $0x0;
	s22 =	simm.f32 $0.0e+00  }
0xf4: {  	s20 =	simm.s32 $0x7FEF;
	s21 =	simm.s32 $0x17FF0;
	s19 =	simm.f32 $0.0e+00  }
.LBB2_10:
0xf5: {  	v5 =	vld [tilespmem:s21+$0x0];
	_ =	sdelay $0x4  }
0xf6: {  	v6 =	vperm.xlane v5, v3;
	_ =	sdelay $0x1  }
0xf7: {  	(xrf2) =	vadd.scan.msk.f32 $0xffff, v6;
	_ =	sdelay $0x9  }
0xf8: {  	v7, _, _ =	vpop (xrf2)  }
0xf9: {  	v8 =	vadd.f32 s22, v7;
	_ =	sdelay $0x1  }
0xfa: {  	vm0 =	vge.f32 v8, $3.276800000e+04  }
0xfb: {  	v8 =	vsel vm0, $0x1, v4  }
0xfc: {  	(xrf0) =	vadd.scan.msk.s32 $0xffff, v8;
	_ =	sdelay $0x5  }
0xfd: {  	v8, _, _ =	vpop (xrf0)  }
0xfe: {  	(v2sf) =	vpush v8, $0xF;
	_ =	sdelay $0xe  }
0xff: {  	s24 =	spop (v2sf)  }
0x100: {  	s29 =	ssub.s32 $0x10, s24  }
0x101: {  	v63 =	vmov s29  }
0x102: {  	vm1 =	veq.s32 v63, v0  }
0x103: {  	v6 =	vnsel vm1, $0x0, v6  }
0x104: {  	(xrf2) =	vadd.scan.msk.f32 $0xffff, v6  }
0x105: {  	(xrf2) =	vadd.scan.msk.f32 $0xffff, v5;
	v5 =	vnsel vm0, $0x4F32D05E, v7  }
0x106: {  	(xrf0) =	vmin.scan.msk.f32 $0xffff, v5;
	_ =	sdelay $0x5  }
0x107: {  	v5, _, _ =	vpop (xrf0)  }
0x108: {  	(v2sf) =	vpush v5, $0xF  }
0x109: {  	v6, _, _ =	vpop (xrf2)  }
0x10a: {  	(v2sf) =	vpush v6, $0xF;
	v5, _, _ =	vpop (xrf2)  }
0x10b: {  	(v2sf) =	vpush v5, $0xF;
	_ =	sdelay $0xa  }
0x10c: {  	p0 =	seq.s32 s20, $0xFFFFFFFF  }
0x10d: {  	s23 =	smov.u32 s22;
	p2 =	slt.s32 @!p0 s24, $0x1;
	s30 =	spop (v2sf)  }
0x10e: {  	p2 =	por p0, !p2;
	s26 =	sadd.f32 s30, s23  }
.Ltmp5:
0x10f: {  	s25 =	spop (v2sf);
	(pc) =	sbr.rel @!p2 .LBB2_10-.Ltmp5, $4  }
0x110: {  	s31 =	spop (v2sf);
	s25 =	ssub.f32 s26, s25  }
0x111: {  	s21 =	sadd.s32 $0xFFFFFFF0, s21;
	s22 =	sadd.f32 s31, s23  }
0x112: {  	p1 =	sgt.s32 s24, $0x0;
	s26 =	sadd.s32 s20, s24;
	s20 =	sadd.s32 $0xFFFFFFF0, s20  }
0x113: {  	s18 =	smov.u32 @p1 s26;
	s19 =	smov.u32 @p1 s25;
	s22 =	smov.u32 @p1 s23  }
0x114: {  	s20 =	simm.s32 $0x10040;
	s21 =	simm.s32 $0xFFFFFF80  }
0x115: {  	s20 =	simm.s32 @p0 $0x10040;
	s21 =	simm.s32 @p0 $0xFFFFFF80  }
0x116: {  	[tilespmem:s20+$0xFFFFFFC0] =	vst v1;
	s21 =	sadd.s32 $0x80, s21  }
0x117: {  	[tilespmem:s20+$0x30] =	vst v1;
	p0 =	slt.u32 s21, $0x7F80  }
.Ltmp6:
0x118: {  	[tilespmem:s20+$0x20] =	vst v1;
	(pc) =	sbr.rel @!p0 .LBB2_13-.Ltmp6, $4  }
0x119: {  	[tilespmem:s20+$0x10] =	vst v1  }
0x11a: {  	[tilespmem:s20+$0x0] =	vst v1  }
0x11b: {  	[tilespmem:s20+$0xFFFFFFF0] =	vst v1  }
0x11c: {  	[tilespmem:s20+$0xFFFFFFE0] =	vst v1  }
.LBB2_12:
0x11d: {  	s21 =	sadd.s32 $0x80, s21;
	[tilespmem:s20+$0xFFFFFFD0] =	vst v1;
	s20 =	sadd.s32 $0x80, s20  }
0x11e: {  	[tilespmem:s20+$0xFFFFFFC0] =	vst v1;
	p0 =	slt.u32 s21, $0x7F80  }
0x11f: {  	[tilespmem:s20+$0x30] =	vst v1  }
.Ltmp7:
0x120: {  	[tilespmem:s20+$0x20] =	vst v1;
	(pc) =	sbr.rel @p0 .LBB2_12-.Ltmp7, $4  }
0x121: {  	[tilespmem:s20+$0x10] =	vst v1  }
0x122: {  	[tilespmem:s20+$0x0] =	vst v1  }
0x123: {  	[tilespmem:s20+$0xFFFFFFF0] =	vst v1  }
0x124: {  	[tilespmem:s20+$0xFFFFFFE0] =	vst v1  }
.LBB2_13:
0x125: {  	[tilespmem:s20+$0xFFFFFFD0] =	vst v1;
	s20 =	simm.s32 $0x0  }
0x126: {  	[tilespmem:s20], [sflag:$0x1] =	stream.linear.gather [hbm4b:s4+s20], $0x8000, $0x38;
	[tilespmem:$0x18080] =	vst v63  }
0x127: {  	s21 =	simm.s32 $0x0  }
0x128: {  	v5 =	vmov s18;
	[tilespmem:s10], [sflag:$0x2] =	stream.linear.gather [hbm4b:s5+s20], $0x8000, $0x38;
	[tilespmem:$0x18080] =	vst v63  }
.LBB2_14:
0x129: {  	s22 =	simm.s32 $0x0;
	s23 =	sand.u32 $0x6000, s20  }
0x12a: {  	_ =	swait.ge [sflag:s11], $0x8000;
	s22 =	sand.u32 $0x6000, s22;
	s23 =	sshrl.u32 s23, $0x2  }
0x12b: {  	s24 =	sand.u32 $0x380, s20;
	[sflag:s11] =	ssyncset.done $0x0;
	s22 =	sor.u32 s23, s22  }
0x12c: {  	[sflag:s11] =	ssyncadd.s32 $0xFFFF8000;
	s24 =	sor.u32 s24, s22  }
0x12d: {  	v6 =	vld [tilespmem:s24+$0x460];
	_ =	sdelay $0x1  }
0x12e: {  	v7 =	vld [tilespmem:s24+$0x0]  }
0x12f: {  	v8 =	vld [tilespmem:s24+$0x20]  }
0x130: {  	v9 =	vld [tilespmem:s24+$0x40]  }
0x131: {  	v11 =	vshrl.u32 v6, $0xF  }
0x132: {  	v10 =	vld [tilespmem:s24+$0x60];
	vm0 =	veq.s32 v11, v5  }
0x133: {  	v6 =	vand.u32 $0x7FFF, v6;
	v11 =	vshrl.u32 v7, $0xF  }
0x134: {  	v12 =	vld [tilespmem:s24+$0x400];
	vm1 =	veq.s32 v11, v5;
	v11 =	vshrl.u32 v8, $0xF  }
0x135: {  	v13 =	vld [tilespmem:s24+$0x420];
	v7 =	vand.u32 $0x7FFF, v7;
	vm2 =	veq.s32 v11, v5;
	v11 =	vshrl.u32 v9, $0xF  }
0x136: {  	v8 =	vand.u32 $0x7FFF, v8;
	vm3 =	veq.s32 v11, v5  }
0x137: {  	v14 =	vld [tilespmem:s24+$0x440];
	v9 =	vand.u32 $0x7FFF, v9;
	v11 =	vshrl.u32 v10, $0xF  }
0x138: {  	vm4 =	veq.s32 v11, v5;
	[tilespmem:v6+s12+$0x0] =	vst.idx.add.f32.msk vm0, v2  }
0x139: {  	v10 =	vand.u32 $0x7FFF, v10;
	v11 =	vshrl.u32 v12, $0xF;
	v6 =	vand.u32 $0x7FFF, v12;
	v12 =	vld [tilespmem:s24+$0x470]  }
0x13a: {  	vm5 =	veq.s32 v11, v5;
	v11 =	vshrl.u32 v13, $0xF;
	[tilespmem:v7+s12+$0x0] =	vst.idx.add.f32.msk vm1, v2  }
0x13b: {  	vm0 =	veq.s32 v11, v5;
	[tilespmem:v8+s12+$0x0] =	vst.idx.add.f32.msk vm2, v2  }
0x13c: {  	v13 =	vand.u32 $0x7FFF, v13;
	v11 =	vshrl.u32 v14, $0xF;
	[tilespmem:v9+s12+$0x0] =	vst.idx.add.f32.msk vm3, v2  }
0x13d: {  	vm6 =	veq.s32 v11, v5;
	v8 =	vld [tilespmem:s24+$0x30]  }
0x13e: {  	v7 =	vand.u32 $0x7FFF, v14;
	[tilespmem:v10+s12+$0x0] =	vst.idx.add.f32.msk vm4, v2  }
0x13f: {  	v9 =	vld [tilespmem:s24+$0x50]  }
0x140: {  	[tilespmem:v6+s12+$0x0] =	vst.idx.add.f32.msk vm5, v2;
	v6 =	vshrl.u32 v12, $0xF  }
0x141: {  	[tilespmem:v13+s12+$0x0] =	vst.idx.add.f32.msk vm0, v2;
	vm0 =	veq.s32 v6, v5  }
0x142: {  	v10 =	vld [tilespmem:s24+$0x70];
	v6 =	vand.u32 $0x7FFF, v12  }
0x143: {  	[tilespmem:v7+s12+$0x0] =	vst.idx.add.f32.msk vm6, v2  }
0x144: {  	s30 =	simm.s32 $0x2000;
	v7 =	vld [tilespmem:s24+$0x10]  }
0x145: {  	s23 =	sand.u32 $0x6000, s30;
	s22 =	simm.s32 $0x100;
	v11 =	vld [tilespmem:s24+$0x430]  }
0x146: {  	s26 =	sshrl.u32 s23, $0x2;
	s23 =	simm.s32 $0x20;
	s25 =	sand.u32 $0x6000, s22;
	v12 =	vld [tilespmem:s24+$0x450]  }
0x147: {  	s31 =	sand.u32 $0x380, s23;
	s25 =	sor.u32 s26, s25;
	[tilespmem:v6+s12+$0x0] =	vst.idx.add.f32.msk vm0, v2  }
0x148: {  	v6 =	vld [tilespmem:s24+$0x410];
	s24 =	sor.u32 s31, s25  }
0x149: {  	v13 =	vld [tilespmem:s24+$0x460]  }
0x14a: {  	v14 =	vshrl.u32 v7, $0xF;
	v15 =	vld [tilespmem:s24+$0x0]  }
0x14b: {  	vm0 =	veq.s32 v14, v5;
	v14 =	vshrl.u32 v8, $0xF;
	v16 =	vld [tilespmem:s24+$0x20]  }
0x14c: {  	v7 =	vand.u32 $0x7FFF, v7;
	vm1 =	veq.s32 v14, v5;
	v14 =	vshrl.u32 v9, $0xF;
	v17 =	vld [tilespmem:s24+$0x40]  }
0x14d: {  	v8 =	vand.u32 $0x7FFF, v8;
	v18 =	vld [tilespmem:s24+$0x60];
	vm2 =	veq.s32 v14, v5;
	v14 =	vshrl.u32 v10, $0xF  }
0x14e: {  	v9 =	vand.u32 $0x7FFF, v9;
	v20 =	vld [tilespmem:s24+$0x420];
	vm3 =	veq.s32 v14, v5;
	v19 =	vshrl.u32 v13, $0xF  }
0x14f: {  	v10 =	vand.u32 $0x7FFF, v10;
	v14 =	vld [tilespmem:s24+$0x400];
	vm4 =	veq.s32 v19, v5  }
0x150: {  	v21 =	vld [tilespmem:s24+$0x440];
	v62 =	vshrl.u32 v15, $0xF;
	v13 =	vand.u32 $0x7FFF, v13  }
0x151: {  	v63 =	vshrl.u32 v16, $0xF;
	[tilespmem:v7+s12+$0x0] =	vst.idx.add.f32.msk vm0, v2;
	vm5 =	veq.s32 v62, v5  }
0x152: {  	v7 =	vand.u32 $0x7FFF, v15;
	v15 =	vshrl.u32 v17, $0xF;
	vm0 =	veq.s32 v63, v5;
	[tilespmem:v8+s12+$0x0] =	vst.idx.add.f32.msk vm1, v2  }
0x153: {  	v8 =	vand.u32 $0x7FFF, v16;
	vm1 =	veq.s32 v15, v5;
	v15 =	vshrl.u32 v18, $0xF;
	[tilespmem:v9+s12+$0x0] =	vst.idx.add.f32.msk vm2, v2  }
0x154: {  	v9 =	vand.u32 $0x7FFF, v17;
	vm2 =	veq.s32 v15, v5;
	v15 =	vshrl.u32 v14, $0xF;
	[tilespmem:v10+s12+$0x0] =	vst.idx.add.f32.msk vm3, v2  }
0x155: {  	v10 =	vand.u32 $0x7FFF, v18;
	vm3 =	veq.s32 v15, v5;
	v15 =	vshrl.u32 v20, $0xF;
	[tilespmem:v13+s12+$0x0] =	vst.idx.add.f32.msk vm4, v2  }
0x156: {  	vm4 =	veq.s32 v15, v5;
	v15 =	vld [tilespmem:s24+$0x470]  }
0x157: {  	[tilespmem:v7+s12+$0x0] =	vst.idx.add.f32.msk vm5, v2  }
0x158: {  	v16 =	vand.u32 $0x7FFF, v20;
	v13 =	vand.u32 $0x7FFF, v14;
	v14 =	vshrl.u32 v21, $0xF;
	[tilespmem:v8+s12+$0x0] =	vst.idx.add.f32.msk vm0, v2  }
0x159: {  	[tilespmem:v9+s12+$0x0] =	vst.idx.add.f32.msk vm1, v2;
	vm15 =	veq.s32 v14, v5  }
0x15a: {  	v7 =	vand.u32 $0x7FFF, v21;
	[tilespmem:v10+s12+$0x0] =	vst.idx.add.f32.msk vm2, v2  }
0x15b: {  	v10 =	vld [tilespmem:s24+$0x10];
	v8 =	vshrl.u32 v15, $0xF  }
0x15c: {  	v14 =	vld [tilespmem:s24+$0x50];
	vm1 =	veq.s32 v8, v5  }
0x15d: {  	[tilespmem:v16+s12+$0x0] =	vst.idx.add.f32.msk vm4, v2;
	v9 =	vand.u32 $0x7FFF, v15  }
0x15e: {  	v16 =	vld [tilespmem:s24+$0x30]  }
0x15f: {  	[tilespmem:v7+s12+$0x0] =	vst.idx.add.f32.msk vm15, v2;
	v7 =	vshrl.u32 v6, $0xF  }
0x160: {  	[tilespmem:v13+s12+$0x0] =	vst.idx.add.f32.msk vm3, v2;
	v6 =	vand.u32 $0x7FFF, v6;
	v8 =	vshrl.u32 v11, $0xF;
	vm2 =	veq.s32 v7, v5  }
0x161: {  	v13 =	vld [tilespmem:s24+$0x70];
	v7 =	vand.u32 $0x7FFF, v11;
	vm0 =	veq.s32 v8, v5;
	v11 =	vshrl.u32 v12, $0xF  }
0x162: {  	[tilespmem:v9+s12+$0x0] =	vst.idx.add.f32.msk vm1, v2;
	vm1 =	veq.s32 v11, v5  }
0x163: {  	v8 =	vand.u32 $0x7FFF, v12;
	v12 =	vld [tilespmem:s24+$0x410];
	v15 =	vshrl.u32 v16, $0xF;
	v11 =	vshrl.u32 v10, $0xF  }
0x164: {  	s25 =	simm.s32 $0x4000;
	v9 =	vand.u32 $0x7FFF, v10;
	v10 =	vand.u32 $0x7FFF, v16;
	vm3 =	veq.s32 v11, v5;
	v11 =	vld [tilespmem:s24+$0x430]  }
.LBB2_15:
0x165: {  	s22 =	sadd.s32 $0x100, s22;
	s26 =	sand.u32 $0x6000, s25;
	vm4 =	veq.s32 v15, v5;
	v15 =	vshrl.u32 v14, $0xF;
	v14 =	vand.u32 $0x7FFF, v14;
	v16 =	vld [tilespmem:s24+$0x450]  }
0x166: {  	s23 =	sadd.s32 $0x20, s23;
	s24 =	sand.u32 $0x6000, s22;
	s26 =	sshrl.u32 s26, $0x2;
	vm5 =	veq.s32 v15, v5;
	v15 =	vshrl.u32 v13, $0xF;
	v13 =	vand.u32 $0x7FFF, v13;
	[tilespmem:v6+s12+$0x0] =	vst.idx.add.f32.msk vm2, v2  }
0x167: {  	s28 =	sand.u32 $0x380, s23;
	p0 =	slt.u32 s22, $0x7F00;
	s24 =	sor.u32 s26, s24;
	vm6 =	veq.s32 v15, v5;
	[tilespmem:v7+s12+$0x0] =	vst.idx.add.f32.msk vm0, v2  }
0x168: {  	s24 =	sor.u32 s28, s24;
	v7 =	vshrl.u32 v12, $0xF;
	v6 =	vand.u32 $0x7FFF, v12;
	[tilespmem:v8+s12+$0x0] =	vst.idx.add.f32.msk vm1, v2  }
0x169: {  	v12 =	vld [tilespmem:s24+$0x460];
	vm2 =	veq.s32 v7, v5;
	v8 =	vshrl.u32 v11, $0xF;
	v7 =	vand.u32 $0x7FFF, v11  }
0x16a: {  	v11 =	vld [tilespmem:s24+$0x0];
	vm0 =	veq.s32 v8, v5;
	v15 =	vshrl.u32 v16, $0xF;
	v8 =	vand.u32 $0x7FFF, v16  }
0x16b: {  	v16 =	vld [tilespmem:s24+$0x20];
	vm1 =	veq.s32 v15, v5  }
0x16c: {  	v15 =	vld [tilespmem:s24+$0x40]  }
0x16d: {  	v17 =	vld [tilespmem:s24+$0x60]  }
0x16e: {  	v18 =	vld [tilespmem:s24+$0x400];
	v19 =	vshrl.u32 v12, $0xF  }
0x16f: {  	v20 =	vshrl.u32 v11, $0xF;
	v11 =	vand.u32 $0x7FFF, v11;
	v21 =	vld [tilespmem:s24+$0x420];
	vm8 =	veq.s32 v19, v5  }
0x170: {  	v12 =	vand.u32 $0x7FFF, v12;
	vm7 =	veq.s32 v20, v5;
	v19 =	vshrl.u32 v16, $0xF;
	v20 =	vld [tilespmem:s24+$0x440]  }
0x171: {  	v16 =	vand.u32 $0x7FFF, v16;
	vm9 =	veq.s32 v19, v5;
	v19 =	vshrl.u32 v15, $0xF;
	[tilespmem:v9+s12+$0x0] =	vst.idx.add.f32.msk vm3, v2  }
0x172: {  	v9 =	vand.u32 $0x7FFF, v15;
	vm3 =	veq.s32 v19, v5;
	v15 =	vshrl.u32 v17, $0xF;
	[tilespmem:v10+s12+$0x0] =	vst.idx.add.f32.msk vm4, v2  }
0x173: {  	v10 =	vand.u32 $0x7FFF, v17;
	vm4 =	veq.s32 v15, v5;
	v15 =	vshrl.u32 v18, $0xF;
	[tilespmem:v14+s12+$0x0] =	vst.idx.add.f32.msk vm5, v2  }
0x174: {  	v14 =	vand.u32 $0x7FFF, v18;
	vm5 =	veq.s32 v15, v5;
	v15 =	vshrl.u32 v21, $0xF;
	[tilespmem:v13+s12+$0x0] =	vst.idx.add.f32.msk vm6, v2  }
0x175: {  	v13 =	vand.u32 $0x7FFF, v21;
	vm6 =	veq.s32 v15, v5;
	v15 =	vshrl.u32 v20, $0xF;
	[tilespmem:v12+s12+$0x0] =	vst.idx.add.f32.msk vm8, v2  }
0x176: {  	v12 =	vand.u32 $0x7FFF, v20;
	vm8 =	veq.s32 v15, v5;
	v15 =	vld [tilespmem:s24+$0x470]  }
0x177: {  	[tilespmem:v11+s12+$0x0] =	vst.idx.add.f32.msk vm7, v2  }
0x178: {  	[tilespmem:v16+s12+$0x0] =	vst.idx.add.f32.msk vm9, v2  }
0x179: {  	[tilespmem:v9+s12+$0x0] =	vst.idx.add.f32.msk vm3, v2  }
0x17a: {  	[tilespmem:v10+s12+$0x0] =	vst.idx.add.f32.msk vm4, v2  }
0x17b: {  	[tilespmem:v14+s12+$0x0] =	vst.idx.add.f32.msk vm5, v2;
	v9 =	vshrl.u32 v15, $0xF  }
0x17c: {  	[tilespmem:v13+s12+$0x0] =	vst.idx.add.f32.msk vm6, v2;
	vm3 =	veq.s32 v9, v5  }
0x17d: {  	v9 =	vand.u32 $0x7FFF, v15;
	[tilespmem:v12+s12+$0x0] =	vst.idx.add.f32.msk vm8, v2  }
0x17e: {  	v10 =	vld [tilespmem:s24+$0x10]  }
0x17f: {  	v11 =	vld [tilespmem:s24+$0x30]  }
.Ltmp8:
0x180: {  	v14 =	vld [tilespmem:s24+$0x50];
	(pc) =	sbr.rel @p0 .LBB2_15-.Ltmp8, $4  }
0x181: {  	v13 =	vld [tilespmem:s24+$0x70]  }
0x182: {  	[tilespmem:v9+s12+$0x0] =	vst.idx.add.f32.msk vm3, v2  }
0x183: {  	v15 =	vshrl.u32 v10, $0xF;
	v9 =	vand.u32 $0x7FFF, v10;
	v12 =	vld [tilespmem:s24+$0x410]  }
0x184: {  	s25 =	sadd.s32 $0x2000, s25;
	vm3 =	veq.s32 v15, v5;
	v15 =	vshrl.u32 v11, $0xF;
	v10 =	vand.u32 $0x7FFF, v11;
	v11 =	vld [tilespmem:s24+$0x430]  }
0x185: {  	_ =	sdelay $0x1  }
0x186: {  	v16 =	vld [tilespmem:s24+$0x450]  }
0x187: {  	vm4 =	veq.s32 v15, v5;
	v15 =	vshrl.u32 v14, $0xF  }
0x188: {  	vm5 =	veq.s32 v15, v5;
	v15 =	vshrl.u32 v13, $0xF  }
0x189: {  	v14 =	vand.u32 $0x7FFF, v14;
	[tilespmem:v6+s12+$0x0] =	vst.idx.add.f32.msk vm2, v2;
	vm2 =	veq.s32 v15, v5;
	v6 =	vshrl.u32 v12, $0xF  }
0x18a: {  	[tilespmem:v7+s12+$0x0] =	vst.idx.add.f32.msk vm0, v2;
	v13 =	vand.u32 $0x7FFF, v13;
	vm0 =	veq.s32 v6, v5;
	v6 =	vshrl.u32 v11, $0xF  }
0x18b: {  	[tilespmem:v8+s12+$0x0] =	vst.idx.add.f32.msk vm1, v2;
	v7 =	vand.u32 $0x7FFF, v12;
	vm1 =	veq.s32 v6, v5;
	v6 =	vshrl.u32 v16, $0xF  }
0x18c: {  	[tilespmem:v9+s12+$0x0] =	vst.idx.add.f32.msk vm3, v2;
	v8 =	vand.u32 $0x7FFF, v11;
	vm6 =	veq.s32 v6, v5  }
0x18d: {  	v6 =	vand.u32 $0x7FFF, v16;
	[tilespmem:v10+s12+$0x0] =	vst.idx.add.f32.msk vm4, v2  }
0x18e: {  	[tilespmem:v14+s12+$0x0] =	vst.idx.add.f32.msk vm5, v2  }
0x18f: {  	s22 =	sshll.u32 s21, $0x10;
	p0 =	seq.s32 s21, $0xF;
	[tilespmem:v13+s12+$0x0] =	vst.idx.add.f32.msk vm2, v2  }
0x190: {  	s23 =	sadd.s32 @!p0 s22, s6;
	[tilespmem:v7+s12+$0x0] =	vst.idx.add.f32.msk vm0, v2  }
0x191: {  	s28 =	simm.s32 $0x0;
	s29 =	simm.s32 $0x0;
	s23 =	sshrl.u32 @!p0 s23, $0x3;
	[tilespmem:v8+s12+$0x0] =	vst.idx.add.f32.msk vm1, v2  }
0x192: {  	s24 =	simm.s32 @!p0 $0x0;
	s25 =	sand.u32 $0x6000, s28;
	s23 =	sadd.s32 @!p0 s2, s23;
	[tilespmem:v6+s12+$0x0] =	vst.idx.add.f32.msk vm6, v2  }
0x193: {  	[tilespmem:s24], [sflag:$0x1] =	stream.linear.gather @!p0 [hbm4b:s23+s24], $0x8000, $0x38;
	[tilespmem:$0x18080] =	vst v63  }
0x194: {  	s25 =	sshrl.u32 s25, $0x2;
	s24 =	sand.u32 $0x6000, s29;
	_ =	swait.ge [sflag:s13], $0x8000  }
0x195: {  	s23 =	sand.u32 $0x380, s28;
	s24 =	sor.u32 s25, s24;
	[sflag:s13] =	ssyncset.done $0x0  }
0x196: {  	s25 =	sor.u32 s23, s24;
	[sflag:s13] =	ssyncadd.s32 $0xFFFF8000  }
0x197: {  	v6 =	vld [tilespmem:s25+$0x8460];
	_ =	sdelay $0x1  }
0x198: {  	v7 =	vld [tilespmem:s25+$0x8000]  }
0x199: {  	v8 =	vld [tilespmem:s25+$0x8020]  }
0x19a: {  	v9 =	vld [tilespmem:s25+$0x8040]  }
0x19b: {  	v11 =	vshrl.u32 v6, $0xF  }
0x19c: {  	v10 =	vld [tilespmem:s25+$0x8060];
	vm0 =	veq.s32 v11, v5  }
0x19d: {  	v6 =	vand.u32 $0x7FFF, v6;
	v11 =	vshrl.u32 v7, $0xF  }
0x19e: {  	v12 =	vld [tilespmem:s25+$0x8400];
	vm1 =	veq.s32 v11, v5;
	v11 =	vshrl.u32 v8, $0xF  }
0x19f: {  	v13 =	vld [tilespmem:s25+$0x8420];
	v7 =	vand.u32 $0x7FFF, v7;
	vm2 =	veq.s32 v11, v5;
	v11 =	vshrl.u32 v9, $0xF  }
0x1a0: {  	v8 =	vand.u32 $0x7FFF, v8;
	vm3 =	veq.s32 v11, v5  }
0x1a1: {  	v14 =	vld [tilespmem:s25+$0x8440];
	v9 =	vand.u32 $0x7FFF, v9;
	v11 =	vshrl.u32 v10, $0xF  }
0x1a2: {  	vm4 =	veq.s32 v11, v5;
	[tilespmem:v6+s12+$0x0] =	vst.idx.add.f32.msk vm0, v2  }
0x1a3: {  	v10 =	vand.u32 $0x7FFF, v10;
	v11 =	vshrl.u32 v12, $0xF;
	v6 =	vand.u32 $0x7FFF, v12;
	v12 =	vld [tilespmem:s25+$0x8470]  }
0x1a4: {  	vm5 =	veq.s32 v11, v5;
	v11 =	vshrl.u32 v13, $0xF;
	[tilespmem:v7+s12+$0x0] =	vst.idx.add.f32.msk vm1, v2  }
0x1a5: {  	vm0 =	veq.s32 v11, v5;
	[tilespmem:v8+s12+$0x0] =	vst.idx.add.f32.msk vm2, v2  }
0x1a6: {  	v13 =	vand.u32 $0x7FFF, v13;
	v11 =	vshrl.u32 v14, $0xF;
	[tilespmem:v9+s12+$0x0] =	vst.idx.add.f32.msk vm3, v2  }
0x1a7: {  	vm14 =	veq.s32 v11, v5;
	v8 =	vld [tilespmem:s25+$0x8030]  }
0x1a8: {  	v7 =	vand.u32 $0x7FFF, v14;
	[tilespmem:v10+s12+$0x0] =	vst.idx.add.f32.msk vm4, v2  }
0x1a9: {  	v9 =	vld [tilespmem:s25+$0x8050]  }
0x1aa: {  	[tilespmem:v6+s12+$0x0] =	vst.idx.add.f32.msk vm5, v2;
	v6 =	vshrl.u32 v12, $0xF  }
0x1ab: {  	[tilespmem:v13+s12+$0x0] =	vst.idx.add.f32.msk vm0, v2;
	vm0 =	veq.s32 v6, v5  }
0x1ac: {  	v10 =	vld [tilespmem:s25+$0x8070];
	v6 =	vand.u32 $0x7FFF, v12  }
0x1ad: {  	[tilespmem:v7+s12+$0x0] =	vst.idx.add.f32.msk vm14, v2  }
0x1ae: {  	s30 =	simm.s32 $0x2000;
	v7 =	vld [tilespmem:s25+$0x8010]  }
0x1af: {  	s23 =	simm.s32 $0x100;
	s24 =	sand.u32 $0x6000, s30;
	v11 =	vld [tilespmem:s25+$0x8430]  }
0x1b0: {  	s26 =	sand.u32 $0x6000, s23;
	s28 =	sshrl.u32 s24, $0x2;
	s24 =	simm.s32 $0x20;
	v12 =	vld [tilespmem:s25+$0x8450]  }
0x1b1: {  	s26 =	sor.u32 s28, s26;
	s31 =	sand.u32 $0x380, s24;
	[tilespmem:v6+s12+$0x0] =	vst.idx.add.f32.msk vm0, v2  }
0x1b2: {  	v6 =	vld [tilespmem:s25+$0x8410];
	s25 =	sor.u32 s31, s26  }
0x1b3: {  	v13 =	vld [tilespmem:s25+$0x8460]  }
0x1b4: {  	v14 =	vshrl.u32 v7, $0xF;
	v15 =	vld [tilespmem:s25+$0x8000]  }
0x1b5: {  	vm0 =	veq.s32 v14, v5;
	v14 =	vshrl.u32 v8, $0xF;
	v16 =	vld [tilespmem:s25+$0x8020]  }
0x1b6: {  	v7 =	vand.u32 $0x7FFF, v7;
	vm1 =	veq.s32 v14, v5;
	v14 =	vshrl.u32 v9, $0xF;
	v17 =	vld [tilespmem:s25+$0x8040]  }
0x1b7: {  	v8 =	vand.u32 $0x7FFF, v8;
	v18 =	vld [tilespmem:s25+$0x8060];
	vm2 =	veq.s32 v14, v5;
	v14 =	vshrl.u32 v10, $0xF  }
0x1b8: {  	v9 =	vand.u32 $0x7FFF, v9;
	v20 =	vld [tilespmem:s25+$0x8420];
	vm3 =	veq.s32 v14, v5;
	v19 =	vshrl.u32 v13, $0xF  }
0x1b9: {  	v10 =	vand.u32 $0x7FFF, v10;
	v14 =	vld [tilespmem:s25+$0x8400];
	vm4 =	veq.s32 v19, v5  }
0x1ba: {  	v21 =	vld [tilespmem:s25+$0x8440];
	v62 =	vshrl.u32 v15, $0xF;
	v13 =	vand.u32 $0x7FFF, v13  }
0x1bb: {  	v63 =	vshrl.u32 v16, $0xF;
	[tilespmem:v7+s12+$0x0] =	vst.idx.add.f32.msk vm0, v2;
	vm5 =	veq.s32 v62, v5  }
0x1bc: {  	v7 =	vand.u32 $0x7FFF, v15;
	v15 =	vshrl.u32 v17, $0xF;
	vm0 =	veq.s32 v63, v5;
	[tilespmem:v8+s12+$0x0] =	vst.idx.add.f32.msk vm1, v2  }
0x1bd: {  	v8 =	vand.u32 $0x7FFF, v16;
	vm1 =	veq.s32 v15, v5;
	v15 =	vshrl.u32 v18, $0xF;
	[tilespmem:v9+s12+$0x0] =	vst.idx.add.f32.msk vm2, v2  }
0x1be: {  	v9 =	vand.u32 $0x7FFF, v17;
	vm2 =	veq.s32 v15, v5;
	v15 =	vshrl.u32 v14, $0xF;
	[tilespmem:v10+s12+$0x0] =	vst.idx.add.f32.msk vm3, v2  }
0x1bf: {  	v10 =	vand.u32 $0x7FFF, v18;
	vm3 =	veq.s32 v15, v5;
	v15 =	vshrl.u32 v20, $0xF;
	[tilespmem:v13+s12+$0x0] =	vst.idx.add.f32.msk vm4, v2  }
0x1c0: {  	vm4 =	veq.s32 v15, v5;
	v15 =	vld [tilespmem:s25+$0x8470]  }
0x1c1: {  	[tilespmem:v7+s12+$0x0] =	vst.idx.add.f32.msk vm5, v2  }
0x1c2: {  	v16 =	vand.u32 $0x7FFF, v20;
	v13 =	vand.u32 $0x7FFF, v14;
	v14 =	vshrl.u32 v21, $0xF;
	[tilespmem:v8+s12+$0x0] =	vst.idx.add.f32.msk vm0, v2  }
0x1c3: {  	[tilespmem:v9+s12+$0x0] =	vst.idx.add.f32.msk vm1, v2;
	vm15 =	veq.s32 v14, v5  }
0x1c4: {  	v7 =	vand.u32 $0x7FFF, v21;
	[tilespmem:v10+s12+$0x0] =	vst.idx.add.f32.msk vm2, v2  }
0x1c5: {  	v10 =	vld [tilespmem:s25+$0x8010];
	v8 =	vshrl.u32 v15, $0xF  }
0x1c6: {  	v14 =	vld [tilespmem:s25+$0x8050];
	vm1 =	veq.s32 v8, v5  }
0x1c7: {  	[tilespmem:v16+s12+$0x0] =	vst.idx.add.f32.msk vm4, v2;
	v9 =	vand.u32 $0x7FFF, v15  }
0x1c8: {  	v16 =	vld [tilespmem:s25+$0x8030]  }
0x1c9: {  	[tilespmem:v7+s12+$0x0] =	vst.idx.add.f32.msk vm15, v2;
	v7 =	vshrl.u32 v6, $0xF  }
0x1ca: {  	[tilespmem:v13+s12+$0x0] =	vst.idx.add.f32.msk vm3, v2;
	v6 =	vand.u32 $0x7FFF, v6;
	v8 =	vshrl.u32 v11, $0xF;
	vm2 =	veq.s32 v7, v5  }
0x1cb: {  	v13 =	vld [tilespmem:s25+$0x8070];
	v7 =	vand.u32 $0x7FFF, v11;
	vm0 =	veq.s32 v8, v5;
	v11 =	vshrl.u32 v12, $0xF  }
0x1cc: {  	[tilespmem:v9+s12+$0x0] =	vst.idx.add.f32.msk vm1, v2;
	vm1 =	veq.s32 v11, v5  }
0x1cd: {  	v8 =	vand.u32 $0x7FFF, v12;
	v12 =	vld [tilespmem:s25+$0x8410];
	v15 =	vshrl.u32 v16, $0xF;
	v11 =	vshrl.u32 v10, $0xF  }
0x1ce: {  	s26 =	simm.s32 $0x4000;
	v9 =	vand.u32 $0x7FFF, v10;
	v10 =	vand.u32 $0x7FFF, v16;
	vm3 =	veq.s32 v11, v5;
	v11 =	vld [tilespmem:s25+$0x8430]  }
.LBB2_17:
0x1cf: {  	s23 =	sadd.s32 $0x100, s23;
	s28 =	sand.u32 $0x6000, s26;
	vm4 =	veq.s32 v15, v5;
	v15 =	vshrl.u32 v14, $0xF;
	v14 =	vand.u32 $0x7FFF, v14;
	v16 =	vld [tilespmem:s25+$0x8450]  }
0x1d0: {  	s24 =	sadd.s32 $0x20, s24;
	s25 =	sand.u32 $0x6000, s23;
	s28 =	sshrl.u32 s28, $0x2;
	vm5 =	veq.s32 v15, v5;
	v15 =	vshrl.u32 v13, $0xF;
	v13 =	vand.u32 $0x7FFF, v13;
	[tilespmem:v6+s12+$0x0] =	vst.idx.add.f32.msk vm2, v2  }
0x1d1: {  	s29 =	sand.u32 $0x380, s24;
	p1 =	slt.u32 s23, $0x7F00;
	s25 =	sor.u32 s28, s25;
	vm6 =	veq.s32 v15, v5;
	[tilespmem:v7+s12+$0x0] =	vst.idx.add.f32.msk vm0, v2  }
0x1d2: {  	s25 =	sor.u32 s29, s25;
	v7 =	vshrl.u32 v12, $0xF;
	v6 =	vand.u32 $0x7FFF, v12;
	[tilespmem:v8+s12+$0x0] =	vst.idx.add.f32.msk vm1, v2  }
0x1d3: {  	v12 =	vld [tilespmem:s25+$0x8460];
	vm2 =	veq.s32 v7, v5;
	v8 =	vshrl.u32 v11, $0xF;
	v7 =	vand.u32 $0x7FFF, v11  }
0x1d4: {  	v11 =	vld [tilespmem:s25+$0x8000];
	vm0 =	veq.s32 v8, v5;
	v15 =	vshrl.u32 v16, $0xF;
	v8 =	vand.u32 $0x7FFF, v16  }
0x1d5: {  	v16 =	vld [tilespmem:s25+$0x8020];
	vm1 =	veq.s32 v15, v5  }
0x1d6: {  	v15 =	vld [tilespmem:s25+$0x8040]  }
0x1d7: {  	v17 =	vld [tilespmem:s25+$0x8060]  }
0x1d8: {  	v18 =	vld [tilespmem:s25+$0x8400];
	v19 =	vshrl.u32 v12, $0xF  }
0x1d9: {  	v20 =	vshrl.u32 v11, $0xF;
	v11 =	vand.u32 $0x7FFF, v11;
	v21 =	vld [tilespmem:s25+$0x8420];
	vm8 =	veq.s32 v19, v5  }
0x1da: {  	v12 =	vand.u32 $0x7FFF, v12;
	vm7 =	veq.s32 v20, v5;
	v19 =	vshrl.u32 v16, $0xF;
	v20 =	vld [tilespmem:s25+$0x8440]  }
0x1db: {  	v16 =	vand.u32 $0x7FFF, v16;
	vm9 =	veq.s32 v19, v5;
	v19 =	vshrl.u32 v15, $0xF;
	[tilespmem:v9+s12+$0x0] =	vst.idx.add.f32.msk vm3, v2  }
0x1dc: {  	v9 =	vand.u32 $0x7FFF, v15;
	vm3 =	veq.s32 v19, v5;
	v15 =	vshrl.u32 v17, $0xF;
	[tilespmem:v10+s12+$0x0] =	vst.idx.add.f32.msk vm4, v2  }
0x1dd: {  	v10 =	vand.u32 $0x7FFF, v17;
	vm4 =	veq.s32 v15, v5;
	v15 =	vshrl.u32 v18, $0xF;
	[tilespmem:v14+s12+$0x0] =	vst.idx.add.f32.msk vm5, v2  }
0x1de: {  	v14 =	vand.u32 $0x7FFF, v18;
	vm5 =	veq.s32 v15, v5;
	v15 =	vshrl.u32 v21, $0xF;
	[tilespmem:v13+s12+$0x0] =	vst.idx.add.f32.msk vm6, v2  }
0x1df: {  	v13 =	vand.u32 $0x7FFF, v21;
	vm6 =	veq.s32 v15, v5;
	v15 =	vshrl.u32 v20, $0xF;
	[tilespmem:v12+s12+$0x0] =	vst.idx.add.f32.msk vm8, v2  }
0x1e0: {  	v12 =	vand.u32 $0x7FFF, v20;
	vm8 =	veq.s32 v15, v5;
	v15 =	vld [tilespmem:s25+$0x8470]  }
0x1e1: {  	[tilespmem:v11+s12+$0x0] =	vst.idx.add.f32.msk vm7, v2  }
0x1e2: {  	[tilespmem:v16+s12+$0x0] =	vst.idx.add.f32.msk vm9, v2  }
0x1e3: {  	[tilespmem:v9+s12+$0x0] =	vst.idx.add.f32.msk vm3, v2  }
0x1e4: {  	[tilespmem:v10+s12+$0x0] =	vst.idx.add.f32.msk vm4, v2  }
0x1e5: {  	[tilespmem:v14+s12+$0x0] =	vst.idx.add.f32.msk vm5, v2;
	v9 =	vshrl.u32 v15, $0xF  }
0x1e6: {  	[tilespmem:v13+s12+$0x0] =	vst.idx.add.f32.msk vm6, v2;
	vm3 =	veq.s32 v9, v5  }
0x1e7: {  	v9 =	vand.u32 $0x7FFF, v15;
	[tilespmem:v12+s12+$0x0] =	vst.idx.add.f32.msk vm8, v2  }
0x1e8: {  	v10 =	vld [tilespmem:s25+$0x8010]  }
0x1e9: {  	v11 =	vld [tilespmem:s25+$0x8030]  }
.Ltmp9:
0x1ea: {  	v14 =	vld [tilespmem:s25+$0x8050];
	(pc) =	sbr.rel @p1 .LBB2_17-.Ltmp9, $4  }
0x1eb: {  	v13 =	vld [tilespmem:s25+$0x8070]  }
0x1ec: {  	[tilespmem:v9+s12+$0x0] =	vst.idx.add.f32.msk vm3, v2  }
0x1ed: {  	v15 =	vshrl.u32 v10, $0xF;
	v9 =	vand.u32 $0x7FFF, v10;
	v12 =	vld [tilespmem:s25+$0x8410]  }
0x1ee: {  	s26 =	sadd.s32 $0x2000, s26;
	vm3 =	veq.s32 v15, v5;
	v15 =	vshrl.u32 v11, $0xF;
	v10 =	vand.u32 $0x7FFF, v11;
	v11 =	vld [tilespmem:s25+$0x8430]  }
0x1ef: {  	_ =	sdelay $0x1  }
0x1f0: {  	v16 =	vld [tilespmem:s25+$0x8450]  }
0x1f1: {  	vm4 =	veq.s32 v15, v5;
	v59 =	vshrl.u32 v14, $0xF  }
0x1f2: {  	vm5 =	veq.s32 v59, v5;
	v60 =	vshrl.u32 v13, $0xF  }
0x1f3: {  	v61 =	vand.u32 $0x7FFF, v14;
	[tilespmem:v6+s12+$0x0] =	vst.idx.add.f32.msk vm2, v2;
	vm13 =	veq.s32 v60, v5;
	v6 =	vshrl.u32 v12, $0xF  }
0x1f4: {  	[tilespmem:v7+s12+$0x0] =	vst.idx.add.f32.msk vm0, v2;
	v62 =	vand.u32 $0x7FFF, v13;
	vm14 =	veq.s32 v6, v5;
	v6 =	vshrl.u32 v11, $0xF  }
0x1f5: {  	[tilespmem:v8+s12+$0x0] =	vst.idx.add.f32.msk vm1, v2;
	v7 =	vand.u32 $0x7FFF, v12;
	vm15 =	veq.s32 v6, v5;
	v6 =	vshrl.u32 v16, $0xF  }
0x1f6: {  	[tilespmem:v9+s12+$0x0] =	vst.idx.add.f32.msk vm3, v2;
	v63 =	vand.u32 $0x7FFF, v11;
	vm6 =	veq.s32 v6, v5  }
0x1f7: {  	v6 =	vand.u32 $0x7FFF, v16;
	[tilespmem:v10+s12+$0x0] =	vst.idx.add.f32.msk vm4, v2  }
.Ltmp10:
0x1f8: {  	[tilespmem:v61+s12+$0x0] =	vst.idx.add.f32.msk vm5, v2;
	(pc) =	sbr.rel @p0 .LBB2_20-.Ltmp10, $4  }
0x1f9: {  	[tilespmem:v62+s12+$0x0] =	vst.idx.add.f32.msk vm13, v2  }
0x1fa: {  	[tilespmem:v7+s12+$0x0] =	vst.idx.add.f32.msk vm14, v2  }
0x1fb: {  	[tilespmem:v63+s12+$0x0] =	vst.idx.add.f32.msk vm15, v2  }
0x1fc: {  	[tilespmem:v6+s12+$0x0] =	vst.idx.add.f32.msk vm6, v2  }
.Ltmp11:
0x1fd: {  	(pc) =	sbr.rel .LBB2_14-.Ltmp11, $4  }
0x1fe: {  	s22 =	sadd.s32 s22, s7  }
0x1ff: {  	s22 =	sshrl.u32 s22, $0x3  }
0x200: {  	s21 =	sadd.s32 $0x1, s21;
	s22 =	sadd.s32 s2, s22  }
0x201: {  	[tilespmem:s10], [sflag:$0x2] =	stream.linear.gather [hbm4b:s22+s3], $0x8000, $0x38;
	[tilespmem:$0x18080] =	vst v63  }
.LBB2_20:
0x202: {  	s19 =	ssub.f32 $3.276800000e+04, s19  }
0x203: {  	s22 =	simm.f32 $0.0e+00  }
0x204: {  	s20 =	simm.s32 $0x7FEF;
	s21 =	simm.s32 $0x17FF0;
	v5 =	vmov s19;
	s19 =	simm.s32 $0x0  }
.LBB2_21:
0x205: {  	v6 =	vld [tilespmem:s21+$0x0];
	_ =	sdelay $0x4  }
0x206: {  	v7 =	vperm.xlane v6, v3;
	_ =	sdelay $0x1  }
0x207: {  	(xrf2) =	vadd.scan.msk.f32 $0xffff, v7;
	_ =	sdelay $0x9  }
0x208: {  	v7, _, _ =	vpop (xrf2)  }
0x209: {  	v7 =	vadd.f32 s22, v7;
	_ =	sdelay $0x1  }
0x20a: {  	vm0 =	vge.f32 v7, v5  }
0x20b: {  	(xrf2) =	vadd.scan.msk.f32 $0xffff, v6;
	v6 =	vsel vm0, $0x1, v4  }
0x20c: {  	(xrf0) =	vadd.scan.msk.s32 $0xffff, v6;
	_ =	sdelay $0x5  }
0x20d: {  	v6, _, _ =	vpop (xrf0)  }
0x20e: {  	(v2sf) =	vpush v6, $0xF;
	_ =	sdelay $0x2  }
0x20f: {  	v6, _, _ =	vpop (xrf2)  }
0x210: {  	(v2sf) =	vpush v6, $0xF;
	_ =	sdelay $0xa  }
0x211: {  	p0 =	seq.s32 s20, $0xFFFFFFFF;
	s24 =	spop (v2sf)  }
0x212: {  	p2 =	slt.s32 @!p0 s24, $0x1  }
0x213: {  	p0 =	por p0, !p2  }
.Ltmp12:
0x214: {  	_ = 	snop;
	(pc) =	sbr.rel @!p0 .LBB2_21-.Ltmp12, $4  }
0x215: {  	s23 =	smov.u32 s22;
	s31 =	spop (v2sf)  }
0x216: {  	s22 =	sadd.f32 s31, s23  }
0x217: {  	s21 =	sadd.s32 $0xFFFFFFF0, s21;
	p1 =	sgt.s32 s24, $0x0;
	s24 =	sadd.s32 s20, s24  }
0x218: {  	s20 =	sadd.s32 $0xFFFFFFF0, s20;
	s19 =	smov.u32 @p1 s24;
	s22 =	smov.u32 @p1 s23  }
0x219: {  	s18 =	sshll.u32 s18, $0xF  }
0x21a: {  	s17 =	sadd.s32 $0x1, s17;
	s18 =	sor.u32 s18, s19  }
0x21b: {  	p0 =	sne.s32 s17, s9;
	v5 =	vmov s18  }
.Ltmp13:
0x21c: {  	[tilespmem:$0x18000] =	vst v5;
	(pc) =	sbr.rel @p0 .LBB2_1-.Ltmp13, $4  }
0x21d: {  	[hbm4b:s8+s3] =	stream.linear.scatter [tilespmem:s15], [sflag:$0x3], $0x80, $0x38;
	[tilespmem:$0x18080] =	vst v63  }
0x21e: {  	_ =	swait.ge [sflag:s16], $0x80  }
0x21f: {  	[sflag:s16] =	ssyncset.done $0x0  }
0x220: {  	[sflag:s16] =	ssyncadd.s32 $0xFFFFFF80  }
0x221: {  	_ =	sfence.sel $0x180000  }
0x222: {  	[bflag:$0x0] =	sbarrier.arrive $0xFFFF  }
0x223: {  	p0 =	sne.s32 s1, $0x0;
	_ =	strace $0x90000047  }
0x224: {  	s0 =	sadd.s32 @!p0 $0x100000, s0;
	[bflag:$0x2] =	sbarrier.arrive $0xFFFF  }
0x225: {  	[sflag:s0] =	ssyncadd.tile.s32 @!p0 $0x1;
	_ =	shalt  }
.Lfunc_end2:
_tile_overlayer_lowered:
.L_overlay_start_2:
0x226: {  	(tag) =	ssettag $0x2  }
0x227: {  	s0 =	rddreg [dreg:$0x0];
	s2 =	stileid.u32  }
0x228: {  	s1 =	rddreg [dreg:$0x1];
	p0 =	sne.s32 s2, $0x0  }
0x229: {  	s3 =	rddreg [dreg:$0x2];
	[bflag:$0x3] =	sbarrier.arrive $0xFFFF;
	s2 =	simm.s32 @!p0 $0x1C03  }
0x22a: {  	[timem:s3], [sflag:s2] =	dma.local @!p0 [hbm:s0], s1  }
0x22b: {  	s0 =	simm.s32 @!p0 $0x3  }
0x22c: {  	_ =	swait.ge @!p0 [sflag:s0], s1  }
0x22d: {  	s1 =	ssub.s32 @!p0 $0x0, s1;
	[sflag:s0] =	ssyncset.done @!p0 $0x0  }
0x22e: {  	[sflag:s0] =	ssyncadd.s32 @!p0 s1  }
0x22f: {  	[bflag:$0x3] =	sbarrier.arrive $0xFFFF  }
0x230: {  	_ =	shalt  }

</sc_bundles>
